<compile_context>
chip_gen: v7x
topology: tpu7x:2x2x1
jax: 0.10.2.dev20260603
libtpu: 0.0.44.dev20260713+nightly
codegen_flags: <defaults>
</compile_context>

<pallas_src>
import functools

import jax
import jax.numpy as jnp
from jax import lax
from jax.experimental import pallas as pl
from jax.experimental.pallas import tpu as pltpu
from jax.experimental.pallas import tpu_sc as plsc

_NC = 2
_NS = 16
_NW = _NC * _NS
_L = 16

_SUB = 80
_NSUB = 10
_CHUNK = _SUB * _NSUB


@functools.partial(jax.jit, static_argnums=(3, 4))
def _emb(x_flat, token_table, pos_flat, seq, d):
    n_rows = x_flat.shape[0]
    n_w = n_rows // _NW
    n_chunks = n_w // _CHUNK
    n2 = n_chunks // 2
    reps = _CHUNK // seq
    dvr = d // _L

    mesh = plsc.VectorSubcoreMesh(core_axis_name="c", subcore_axis_name="s")

    @functools.partial(
        pl.kernel,
        out_type=jax.ShapeDtypeStruct((n_rows, d), jnp.float32),
        mesh=mesh,
        compiler_params=pltpu.CompilerParams(use_tc_tiling_on_sc=False),
        scratch_types=[
            pltpu.VMEM((_CHUNK,), jnp.int32),
            pltpu.VMEM((_CHUNK,), jnp.int32),
            pltpu.VMEM((_CHUNK, d), jnp.float32),
            pltpu.VMEM((_CHUNK, d), jnp.float32),
            pltpu.VMEM((seq * d,), jnp.float32),
            pltpu.SemaphoreType.DMA,
            pltpu.SemaphoreType.DMA,
            pltpu.SemaphoreType.DMA,
            pltpu.SemaphoreType.DMA,
        ],
    )
    def body(x_hbm, tab_hbm, pos_hbm, out_hbm, idx0, idx1, rows0, rows1,
             pos_v, gsem0, gsem1, ssem0, ssem1):
        idxs = (idx0, idx1)
        rows = (rows0, rows1)
        gsems = (gsem0, gsem1)
        ssems = (ssem0, ssem1)

        wid = lax.axis_index("s") * _NC + lax.axis_index("c")
        base = wid * n_w
        pltpu.sync_copy(pos_hbm, pos_v)

        def fire_gather(chunk_i, b):
            off = base + chunk_i * _CHUNK
            pltpu.sync_copy(x_hbm.at[pl.ds(off, _CHUNK)], idxs[b])
            for j in range(_NSUB):
                pltpu.async_copy(
                    tab_hbm.at[idxs[b].at[pl.ds(j * _SUB, _SUB)]],
                    rows[b].at[pl.ds(j * _SUB, _SUB)],
                    gsems[b],
                )

        def drain_gather(b):
            pltpu.make_async_copy(
                out_hbm.at[pl.ds(0, _CHUNK)], rows[b], gsems[b]
            ).wait()

        def fire_store(chunk_i, b):
            off = base + chunk_i * _CHUNK
            pltpu.async_copy(rows[b], out_hbm.at[pl.ds(off, _CHUNK)], ssems[b])

        def wait_store(b):
            pltpu.make_async_copy(
                rows[b], out_hbm.at[pl.ds(0, _CHUNK)], ssems[b]
            ).wait()

        def add_pos(b):
            @plsc.parallel_loop(0, seq, unroll=4)
            def _(s):
                for dd in range(dvr):
                    pv = pos_v[pl.ds(s * d + dd * _L, _L)]
                    for q in range(reps):
                        plsc.addupdate(
                            rows[b].at[q * seq + s, pl.ds(dd * _L, _L)], pv
                        )

        fire_gather(0, 0)

        def jbody(j, carry):
            @pl.when(j > 0)
            def _():
                wait_store(1)

            fire_gather(2 * j + 1, 1)
            drain_gather(0)
            add_pos(0)
            fire_store(2 * j, 0)

            @pl.when(j < n2 - 1)
            def _():
                wait_store(0)
                fire_gather(2 * j + 2, 0)

            drain_gather(1)
            add_pos(1)
            fire_store(2 * j + 1, 1)
            return carry

        lax.fori_loop(0, n2, jbody, 0)
        wait_store(0)
        wait_store(1)

    return body(x_flat, token_table, pos_flat)


def kernel(x, token_table, pos_table):
    b, s = x.shape
    v, d = token_table.shape
    n = b * s
    x_flat = x.reshape(n).astype(jnp.int32)
    pos_flat = pos_table[:s].reshape(s * d)
    out = _emb(x_flat, token_table, pos_flat, s, d)
    return out.reshape(b, s, d)

# --- scband reference (transcript-rebuilt; emitter-appended) ---
"""Pipeline reference for scband-positional-embedding-24558622998605 (READ-ONLY COPY).

The authoritative reference and input builder live on the scoring server;
editing this copy changes nothing except your own understanding.
"""

import jax, jax.numpy as jnp
import numpy as np

VOCAB_SIZE = 1000000
EMBED_DIM = 64
MAX_LEN = 2048
BATCH = 4096
SEQ = 200

def setup_inputs(seed: int = 0) -> dict:
    key = jax.random.key(seed)
    k1, k2, k3 = jax.random.split(key, 3)
    x = jax.random.randint(k1, (BATCH, SEQ), 0, VOCAB_SIZE, dtype=jnp.int64 if jax.config.jax_enable_x64 else jnp.int32)
    token_table = jax.random.normal(k2, (VOCAB_SIZE, EMBED_DIM), dtype=jnp.float32) * 0.02
    pos_table = jax.random.normal(k3, (MAX_LEN, EMBED_DIM), dtype=jnp.float32) * 0.02
    return {"x": x, "token_table": token_table, "pos_table": pos_table}

def reference(x, token_table, pos_table):
    # positions = tf.range(0, tf.shape(x)[-1])
    positions = jnp.arange(x.shape[-1])
    # pos_emb lookup
    pos = jnp.take(pos_table, positions, axis=0)  # [SEQ, EMBED_DIM]
    # token_emb lookup
    tok = jnp.take(token_table, x, axis=0)  # [BATCH, SEQ, EMBED_DIM]
    return tok + pos

if __name__ == "__main__":
    import jax
    _d = setup_inputs()
    print(jax.jit(kernel)(*tuple(_d.values())))

</pallas_src>

<mosaic_0001>
#map = affine_map<(d0, d1) -> (0)>
#map1 = affine_map<(d0, d1) -> (0, 0)>
module attributes {stable_mosaic.version = 14 : i64} {
  func.func @body(%arg0: i32, %arg1: i32, %arg2: memref<819200xi32, #tpu.memory_space<hbm>>, %arg3: memref<1000000x64xf32, #tpu.memory_space<hbm>>, %arg4: memref<12800xf32, #tpu.memory_space<hbm>>, %arg5: memref<819200x64xf32, #tpu.memory_space<hbm>>, %arg6: memref<800xi32, #tpu.memory_space<vmem>>, %arg7: memref<800xi32, #tpu.memory_space<vmem>>, %arg8: memref<800x64xf32, #tpu.memory_space<vmem>>, %arg9: memref<800x64xf32, #tpu.memory_space<vmem>>, %arg10: memref<12800xf32, #tpu.memory_space<vmem>>, %arg11: memref<!tpu.dma_semaphore, #tpu.memory_space<semaphore_mem>>, %arg12: memref<!tpu.dma_semaphore, #tpu.memory_space<semaphore_mem>>, %arg13: memref<!tpu.dma_semaphore, #tpu.memory_space<semaphore_mem>>, %arg14: memref<!tpu.dma_semaphore, #tpu.memory_space<semaphore_mem>>) attributes {dimension_semantics = [#tpu.dimension_semantics<core_parallel>, #tpu.dimension_semantics<subcore_parallel>], iteration_bounds = array<i64: 2, 16>, scalar_prefetch = 0 : i64, scratch_operands = 9 : i64, tpu.core_type = #tpu.core_type<sc_vector_subcore>, window_params = [{transform_indices = #map}, {transform_indices = #map1}, {transform_indices = #map}, {transform_indices = #map1}]} {
    %mul3A = arith.constant 2 : i32
    %mul3A_0 = arith.muli %arg1, %mul3A : i32
    %add3A = arith.addi %mul3A_0, %arg0 : i32
    %mul3A_1 = arith.constant 25600 : i32
    %mul3A_2 = arith.muli %add3A, %mul3A_1 : i32
    "tpu.region"() ({
      %run_scoped3A = tpu.sem_alloc : memref<!tpu.dma_semaphore, #tpu.memory_space<semaphore_mem>>
      tpu.enqueue_dma source(%arg4 : memref<12800xf32, #tpu.memory_space<hbm>>) target(%arg10 : memref<12800xf32, #tpu.memory_space<vmem>>) target_semaphore(%run_scoped3A : memref<!tpu.dma_semaphore, #tpu.memory_space<semaphore_mem>>)
      tpu.wait_dma2 semaphore(%run_scoped3A : memref<!tpu.dma_semaphore, #tpu.memory_space<semaphore_mem>>) src(%arg4 : memref<12800xf32, #tpu.memory_space<hbm>>) dst(%arg10 : memref<12800xf32, #tpu.memory_space<vmem>>)
      tpu.yield
    }) : () -> ()
    %add3A_3 = arith.constant 0 : i32
    %add3A_4 = arith.addi %mul3A_2, %add3A_3 : i32
    "tpu.region"() ({
      %run_scoped3A = tpu.sem_alloc : memref<!tpu.dma_semaphore, #tpu.memory_space<semaphore_mem>>
      %dma_start3A_100 = tpu.memref_slice %arg2[%add3A_4] : memref<819200xi32, #tpu.memory_space<hbm>> -> memref<800xi32, #tpu.memory_space<hbm>>
      %dma_start3A_101 = tpu.memref_slice %arg2[%add3A_4] : memref<819200xi32, #tpu.memory_space<hbm>> -> memref<800xi32, #tpu.memory_space<hbm>>
      tpu.enqueue_dma source(%dma_start3A_101 : memref<800xi32, #tpu.memory_space<hbm>>) target(%arg6 : memref<800xi32, #tpu.memory_space<vmem>>) target_semaphore(%run_scoped3A : memref<!tpu.dma_semaphore, #tpu.memory_space<semaphore_mem>>)
      %dma_wait3A_102 = tpu.memref_slice %arg2[%add3A_4] : memref<819200xi32, #tpu.memory_space<hbm>> -> memref<800xi32, #tpu.memory_space<hbm>>
      %dma_wait3A_103 = tpu.memref_slice %arg2[%add3A_4] : memref<819200xi32, #tpu.memory_space<hbm>> -> memref<800xi32, #tpu.memory_space<hbm>>
      tpu.wait_dma2 semaphore(%run_scoped3A : memref<!tpu.dma_semaphore, #tpu.memory_space<semaphore_mem>>) src(%dma_wait3A_103 : memref<800xi32, #tpu.memory_space<hbm>>) dst(%arg6 : memref<800xi32, #tpu.memory_space<vmem>>)
      tpu.yield
    }) : () -> ()
    %dma_start3A = arith.constant 0 : i32
    %dma_start3A_5 = arith.constant 0 : i32
    %dma_start3A_6 = tpu.memref_slice %arg8[%dma_start3A, %dma_start3A_5] : memref<800x64xf32, #tpu.memory_space<vmem>> -> memref<80x64xf32, #tpu.memory_space<vmem>>
    %dma_start3A_7 = arith.constant 0 : i32
    %dma_start3A_8 = tpu.memref_slice %arg6[%dma_start3A_7] : memref<800xi32, #tpu.memory_space<vmem>> -> memref<80xi32, #tpu.memory_space<vmem>>
    %dma_start3A_9 = arith.constant 0 : i32
    %dma_start3A_10 = arith.constant 0 : i32
    %dma_start3A_11 = tpu.memref_slice %arg3[%dma_start3A_9, %dma_start3A_10] : memref<1000000x64xf32, #tpu.memory_space<hbm>> -> memref<1000000x64xf32, #tpu.memory_space<hbm>>
    tpu.enqueue_indirect_dma source(%dma_start3A_11 : memref<1000000x64xf32, #tpu.memory_space<hbm>>) target(%dma_start3A_6 : memref<80x64xf32, #tpu.memory_space<vmem>>) offsets(%dma_start3A_8 : memref<80xi32, #tpu.memory_space<vmem>>) semaphore(%arg11 : memref<!tpu.dma_semaphore, #tpu.memory_space<semaphore_mem>>)
    %dma_start3A_12 = arith.constant 80 : i32
    %dma_start3A_13 = arith.constant 0 : i32
    %dma_start3A_14 = tpu.memref_slice %arg8[%dma_start3A_12, %dma_start3A_13] : memref<800x64xf32, #tpu.memory_space<vmem>> -> memref<80x64xf32, #tpu.memory_space<vmem>>
    %dma_start3A_15 = arith.constant 80 : i32
    %dma_start3A_16 = tpu.memref_slice %arg6[%dma_start3A_15] : memref<800xi32, #tpu.memory_space<vmem>> -> memref<80xi32, #tpu.memory_space<vmem>>
    %dma_start3A_17 = arith.constant 0 : i32
    %dma_start3A_18 = arith.constant 0 : i32
    %dma_start3A_19 = tpu.memref_slice %arg3[%dma_start3A_17, %dma_start3A_18] : memref<1000000x64xf32, #tpu.memory_space<hbm>> -> memref<1000000x64xf32, #tpu.memory_space<hbm>>
    tpu.enqueue_indirect_dma source(%dma_start3A_19 : memref<1000000x64xf32, #tpu.memory_space<hbm>>) target(%dma_start3A_14 : memref<80x64xf32, #tpu.memory_space<vmem>>) offsets(%dma_start3A_16 : memref<80xi32, #tpu.memory_space<vmem>>) semaphore(%arg11 : memref<!tpu.dma_semaphore, #tpu.memory_space<semaphore_mem>>)
    %dma_start3A_20 = arith.constant 160 : i32
    %dma_start3A_21 = arith.constant 0 : i32
    %dma_start3A_22 = tpu.memref_slice %arg8[%dma_start3A_20, %dma_start3A_21] : memref<800x64xf32, #tpu.memory_space<vmem>> -> memref<80x64xf32, #tpu.memory_space<vmem>>
    %dma_start3A_23 = arith.constant 160 : i32
    %dma_start3A_24 = tpu.memref_slice %arg6[%dma_start3A_23] : memref<800xi32, #tpu.memory_space<vmem>> -> memref<80xi32, #tpu.memory_space<vmem>>
    %dma_start3A_25 = arith.constant 0 : i32
    %dma_start3A_26 = arith.constant 0 : i32
    %dma_start3A_27 = tpu.memref_slice %arg3[%dma_start3A_25, %dma_start3A_26] : memref<1000000x64xf32, #tpu.memory_space<hbm>> -> memref<1000000x64xf32, #tpu.memory_space<hbm>>
    tpu.enqueue_indirect_dma source(%dma_start3A_27 : memref<1000000x64xf32, #tpu.memory_space<hbm>>) target(%dma_start3A_22 : memref<80x64xf32, #tpu.memory_space<vmem>>) offsets(%dma_start3A_24 : memref<80xi32, #tpu.memory_space<vmem>>) semaphore(%arg11 : memref<!tpu.dma_semaphore, #tpu.memory_space<semaphore_mem>>)
    %dma_start3A_28 = arith.constant 240 : i32
    %dma_start3A_29 = arith.constant 0 : i32
    %dma_start3A_30 = tpu.memref_slice %arg8[%dma_start3A_28, %dma_start3A_29] : memref<800x64xf32, #tpu.memory_space<vmem>> -> memref<80x64xf32, #tpu.memory_space<vmem>>
    %dma_start3A_31 = arith.constant 240 : i32
    %dma_start3A_32 = tpu.memref_slice %arg6[%dma_start3A_31] : memref<800xi32, #tpu.memory_space<vmem>> -> memref<80xi32, #tpu.memory_space<vmem>>
    %dma_start3A_33 = arith.constant 0 : i32
    %dma_start3A_34 = arith.constant 0 : i32
    %dma_start3A_35 = tpu.memref_slice %arg3[%dma_start3A_33, %dma_start3A_34] : memref<1000000x64xf32, #tpu.memory_space<hbm>> -> memref<1000000x64xf32, #tpu.memory_space<hbm>>
    tpu.enqueue_indirect_dma source(%dma_start3A_35 : memref<1000000x64xf32, #tpu.memory_space<hbm>>) target(%dma_start3A_30 : memref<80x64xf32, #tpu.memory_space<vmem>>) offsets(%dma_start3A_32 : memref<80xi32, #tpu.memory_space<vmem>>) semaphore(%arg11 : memref<!tpu.dma_semaphore, #tpu.memory_space<semaphore_mem>>)
    %dma_start3A_36 = arith.constant 320 : i32
    %dma_start3A_37 = arith.constant 0 : i32
    %dma_start3A_38 = tpu.memref_slice %arg8[%dma_start3A_36, %dma_start3A_37] : memref<800x64xf32, #tpu.memory_space<vmem>> -> memref<80x64xf32, #tpu.memory_space<vmem>>
    %dma_start3A_39 = arith.constant 320 : i32
    %dma_start3A_40 = tpu.memref_slice %arg6[%dma_start3A_39] : memref<800xi32, #tpu.memory_space<vmem>> -> memref<80xi32, #tpu.memory_space<vmem>>
    %dma_start3A_41 = arith.constant 0 : i32
    %dma_start3A_42 = arith.constant 0 : i32
    %dma_start3A_43 = tpu.memref_slice %arg3[%dma_start3A_41, %dma_start3A_42] : memref<1000000x64xf32, #tpu.memory_space<hbm>> -> memref<1000000x64xf32, #tpu.memory_space<hbm>>
    tpu.enqueue_indirect_dma source(%dma_start3A_43 : memref<1000000x64xf32, #tpu.memory_space<hbm>>) target(%dma_start3A_38 : memref<80x64xf32, #tpu.memory_space<vmem>>) offsets(%dma_start3A_40 : memref<80xi32, #tpu.memory_space<vmem>>) semaphore(%arg11 : memref<!tpu.dma_semaphore, #tpu.memory_space<semaphore_mem>>)
    %dma_start3A_44 = arith.constant 400 : i32
    %dma_start3A_45 = arith.constant 0 : i32
    %dma_start3A_46 = tpu.memref_slice %arg8[%dma_start3A_44, %dma_start3A_45] : memref<800x64xf32, #tpu.memory_space<vmem>> -> memref<80x64xf32, #tpu.memory_space<vmem>>
    %dma_start3A_47 = arith.constant 400 : i32
    %dma_start3A_48 = tpu.memref_slice %arg6[%dma_start3A_47] : memref<800xi32, #tpu.memory_space<vmem>> -> memref<80xi32, #tpu.memory_space<vmem>>
    %dma_start3A_49 = arith.constant 0 : i32
    %dma_start3A_50 = arith.constant 0 : i32
    %dma_start3A_51 = tpu.memref_slice %arg3[%dma_start3A_49, %dma_start3A_50] : memref<1000000x64xf32, #tpu.memory_space<hbm>> -> memref<1000000x64xf32, #tpu.memory_space<hbm>>
    tpu.enqueue_indirect_dma source(%dma_start3A_51 : memref<1000000x64xf32, #tpu.memory_space<hbm>>) target(%dma_start3A_46 : memref<80x64xf32, #tpu.memory_space<vmem>>) offsets(%dma_start3A_48 : memref<80xi32, #tpu.memory_space<vmem>>) semaphore(%arg11 : memref<!tpu.dma_semaphore, #tpu.memory_space<semaphore_mem>>)
    %dma_start3A_52 = arith.constant 480 : i32
    %dma_start3A_53 = arith.constant 0 : i32
    %dma_start3A_54 = tpu.memref_slice %arg8[%dma_start3A_52, %dma_start3A_53] : memref<800x64xf32, #tpu.memory_space<vmem>> -> memref<80x64xf32, #tpu.memory_space<vmem>>
    %dma_start3A_55 = arith.constant 480 : i32
    %dma_start3A_56 = tpu.memref_slice %arg6[%dma_start3A_55] : memref<800xi32, #tpu.memory_space<vmem>> -> memref<80xi32, #tpu.memory_space<vmem>>
    %dma_start3A_57 = arith.constant 0 : i32
    %dma_start3A_58 = arith.constant 0 : i32
    %dma_start3A_59 = tpu.memref_slice %arg3[%dma_start3A_57, %dma_start3A_58] : memref<1000000x64xf32, #tpu.memory_space<hbm>> -> memref<1000000x64xf32, #tpu.memory_space<hbm>>
    tpu.enqueue_indirect_dma source(%dma_start3A_59 : memref<1000000x64xf32, #tpu.memory_space<hbm>>) target(%dma_start3A_54 : memref<80x64xf32, #tpu.memory_space<vmem>>) offsets(%dma_start3A_56 : memref<80xi32, #tpu.memory_space<vmem>>) semaphore(%arg11 : memref<!tpu.dma_semaphore, #tpu.memory_space<semaphore_mem>>)
    %dma_start3A_60 = arith.constant 560 : i32
    %dma_start3A_61 = arith.constant 0 : i32
    %dma_start3A_62 = tpu.memref_slice %arg8[%dma_start3A_60, %dma_start3A_61] : memref<800x64xf32, #tpu.memory_space<vmem>> -> memref<80x64xf32, #tpu.memory_space<vmem>>
    %dma_start3A_63 = arith.constant 560 : i32
    %dma_start3A_64 = tpu.memref_slice %arg6[%dma_start3A_63] : memref<800xi32, #tpu.memory_space<vmem>> -> memref<80xi32, #tpu.memory_space<vmem>>
    %dma_start3A_65 = arith.constant 0 : i32
    %dma_start3A_66 = arith.constant 0 : i32
    %dma_start3A_67 = tpu.memref_slice %arg3[%dma_start3A_65, %dma_start3A_66] : memref<1000000x64xf32, #tpu.memory_space<hbm>> -> memref<1000000x64xf32, #tpu.memory_space<hbm>>
    tpu.enqueue_indirect_dma source(%dma_start3A_67 : memref<1000000x64xf32, #tpu.memory_space<hbm>>) target(%dma_start3A_62 : memref<80x64xf32, #tpu.memory_space<vmem>>) offsets(%dma_start3A_64 : memref<80xi32, #tpu.memory_space<vmem>>) semaphore(%arg11 : memref<!tpu.dma_semaphore, #tpu.memory_space<semaphore_mem>>)
    %dma_start3A_68 = arith.constant 640 : i32
    %dma_start3A_69 = arith.constant 0 : i32
    %dma_start3A_70 = tpu.memref_slice %arg8[%dma_start3A_68, %dma_start3A_69] : memref<800x64xf32, #tpu.memory_space<vmem>> -> memref<80x64xf32, #tpu.memory_space<vmem>>
    %dma_start3A_71 = arith.constant 640 : i32
    %dma_start3A_72 = tpu.memref_slice %arg6[%dma_start3A_71] : memref<800xi32, #tpu.memory_space<vmem>> -> memref<80xi32, #tpu.memory_space<vmem>>
    %dma_start3A_73 = arith.constant 0 : i32
    %dma_start3A_74 = arith.constant 0 : i32
    %dma_start3A_75 = tpu.memref_slice %arg3[%dma_start3A_73, %dma_start3A_74] : memref<1000000x64xf32, #tpu.memory_space<hbm>> -> memref<1000000x64xf32, #tpu.memory_space<hbm>>
    tpu.enqueue_indirect_dma source(%dma_start3A_75 : memref<1000000x64xf32, #tpu.memory_space<hbm>>) target(%dma_start3A_70 : memref<80x64xf32, #tpu.memory_space<vmem>>) offsets(%dma_start3A_72 : memref<80xi32, #tpu.memory_space<vmem>>) semaphore(%arg11 : memref<!tpu.dma_semaphore, #tpu.memory_space<semaphore_mem>>)
    %dma_start3A_76 = arith.constant 720 : i32
    %dma_start3A_77 = arith.constant 0 : i32
    %dma_start3A_78 = tpu.memref_slice %arg8[%dma_start3A_76, %dma_start3A_77] : memref<800x64xf32, #tpu.memory_space<vmem>> -> memref<80x64xf32, #tpu.memory_space<vmem>>
    %dma_start3A_79 = arith.constant 720 : i32
    %dma_start3A_80 = tpu.memref_slice %arg6[%dma_start3A_79] : memref<800xi32, #tpu.memory_space<vmem>> -> memref<80xi32, #tpu.memory_space<vmem>>
    %dma_start3A_81 = arith.constant 0 : i32
    %dma_start3A_82 = arith.constant 0 : i32
    %dma_start3A_83 = tpu.memref_slice %arg3[%dma_start3A_81, %dma_start3A_82] : memref<1000000x64xf32, #tpu.memory_space<hbm>> -> memref<1000000x64xf32, #tpu.memory_space<hbm>>
    tpu.enqueue_indirect_dma source(%dma_start3A_83 : memref<1000000x64xf32, #tpu.memory_space<hbm>>) target(%dma_start3A_78 : memref<80x64xf32, #tpu.memory_space<vmem>>) offsets(%dma_start3A_80 : memref<80xi32, #tpu.memory_space<vmem>>) semaphore(%arg11 : memref<!tpu.dma_semaphore, #tpu.memory_space<semaphore_mem>>)
    %scan3A = arith.constant 0 : i32
    %scan3A_84 = arith.constant 0 : i32
    %scan3A_85 = arith.constant 16 : i32
    %scan3A_86 = arith.addi %scan3A_84, %scan3A_85 : i32
    %scan3A_87 = arith.constant 1 : i32
    scf.for %scan3A_100 = %scan3A_84 to %scan3A_86 step %scan3A_87  : i32 {
      %gt3A = arith.constant 0 : i32
      %gt3A_101 = arith.cmpi sgt, %scan3A_100, %gt3A : i32
      %convert_element_type3A = arith.extui %gt3A_101 : i1 to i32
      %cond3A = arith.constant 0 : i32
      %cond3A_102 = arith.cmpi ne, %convert_element_type3A, %cond3A : i32
      scf.if %cond3A_102 {
        %dma_wait3A_231 = arith.constant 0 : i32
        %dma_wait3A_232 = arith.constant 0 : i32
        %dma_wait3A_233 = tpu.memref_slice %arg5[%dma_wait3A_231, %dma_wait3A_232] : memref<819200x64xf32, #tpu.memory_space<hbm>> -> memref<800x64xf32, #tpu.memory_space<hbm>>
        %dma_wait3A_234 = arith.constant 0 : i32
        %dma_wait3A_235 = arith.constant 0 : i32
        %dma_wait3A_236 = tpu.memref_slice %arg5[%dma_wait3A_234, %dma_wait3A_235] : memref<819200x64xf32, #tpu.memory_space<hbm>> -> memref<800x64xf32, #tpu.memory_space<hbm>>
        tpu.wait_dma2 semaphore(%arg14 : memref<!tpu.dma_semaphore, #tpu.memory_space<semaphore_mem>>) src(%arg9 : memref<800x64xf32, #tpu.memory_space<vmem>>) dst(%dma_wait3A_236 : memref<800x64xf32, #tpu.memory_space<hbm>>)
      } else {
      }
      %mul3A_103 = arith.constant 2 : i32
      %mul3A_104 = arith.muli %mul3A_103, %scan3A_100 : i32
      %add3A_105 = arith.constant 1 : i32
      %add3A_106 = arith.addi %mul3A_104, %add3A_105 : i32
      %mul3A_107 = arith.constant 800 : i32
      %mul3A_108 = arith.muli %add3A_106, %mul3A_107 : i32
      %add3A_109 = arith.addi %mul3A_2, %mul3A_108 : i32
      "tpu.region"() ({
        %run_scoped3A = tpu.sem_alloc : memref<!tpu.dma_semaphore, #tpu.memory_space<semaphore_mem>>
        %dma_start3A_231 = tpu.memref_slice %arg2[%add3A_109] : memref<819200xi32, #tpu.memory_space<hbm>> -> memref<800xi32, #tpu.memory_space<hbm>>
        %dma_start3A_232 = tpu.memref_slice %arg2[%add3A_109] : memref<819200xi32, #tpu.memory_space<hbm>> -> memref<800xi32, #tpu.memory_space<hbm>>
        tpu.enqueue_dma source(%dma_start3A_232 : memref<800xi32, #tpu.memory_space<hbm>>) target(%arg7 : memref<800xi32, #tpu.memory_space<vmem>>) target_semaphore(%run_scoped3A : memref<!tpu.dma_semaphore, #tpu.memory_space<semaphore_mem>>)
        %dma_wait3A_233 = tpu.memref_slice %arg2[%add3A_109] : memref<819200xi32, #tpu.memory_space<hbm>> -> memref<800xi32, #tpu.memory_space<hbm>>
        %dma_wait3A_234 = tpu.memref_slice %arg2[%add3A_109] : memref<819200xi32, #tpu.memory_space<hbm>> -> memref<800xi32, #tpu.memory_space<hbm>>
        tpu.wait_dma2 semaphore(%run_scoped3A : memref<!tpu.dma_semaphore, #tpu.memory_space<semaphore_mem>>) src(%dma_wait3A_234 : memref<800xi32, #tpu.memory_space<hbm>>) dst(%arg7 : memref<800xi32, #tpu.memory_space<vmem>>)
        tpu.yield
      }) : () -> ()
      %dma_start3A_110 = arith.constant 0 : i32
      %dma_start3A_111 = arith.constant 0 : i32
      %dma_start3A_112 = tpu.memref_slice %arg9[%dma_start3A_110, %dma_start3A_111] : memref<800x64xf32, #tpu.memory_space<vmem>> -> memref<80x64xf32, #tpu.memory_space<vmem>>
      %dma_start3A_113 = arith.constant 0 : i32
      %dma_start3A_114 = tpu.memref_slice %arg7[%dma_start3A_113] : memref<800xi32, #tpu.memory_space<vmem>> -> memref<80xi32, #tpu.memory_space<vmem>>
      %dma_start3A_115 = arith.constant 0 : i32
      %dma_start3A_116 = arith.constant 0 : i32
      %dma_start3A_117 = tpu.memref_slice %arg3[%dma_start3A_115, %dma_start3A_116] : memref<1000000x64xf32, #tpu.memory_space<hbm>> -> memref<1000000x64xf32, #tpu.memory_space<hbm>>
      tpu.enqueue_indirect_dma source(%dma_start3A_117 : memref<1000000x64xf32, #tpu.memory_space<hbm>>) target(%dma_start3A_112 : memref<80x64xf32, #tpu.memory_space<vmem>>) offsets(%dma_start3A_114 : memref<80xi32, #tpu.memory_space<vmem>>) semaphore(%arg12 : memref<!tpu.dma_semaphore, #tpu.memory_space<semaphore_mem>>)
      %dma_start3A_118 = arith.constant 80 : i32
      %dma_start3A_119 = arith.constant 0 : i32
      %dma_start3A_120 = tpu.memref_slice %arg9[%dma_start3A_118, %dma_start3A_119] : memref<800x64xf32, #tpu.memory_space<vmem>> -> memref<80x64xf32, #tpu.memory_space<vmem>>
      %dma_start3A_121 = arith.constant 80 : i32
      %dma_start3A_122 = tpu.memref_slice %arg7[%dma_start3A_121] : memref<800xi32, #tpu.memory_space<vmem>> -> memref<80xi32, #tpu.memory_space<vmem>>
      %dma_start3A_123 = arith.constant 0 : i32
      %dma_start3A_124 = arith.constant 0 : i32
      %dma_start3A_125 = tpu.memref_slice %arg3[%dma_start3A_123, %dma_start3A_124] : memref<1000000x64xf32, #tpu.memory_space<hbm>> -> memref<1000000x64xf32, #tpu.memory_space<hbm>>
      tpu.enqueue_indirect_dma source(%dma_start3A_125 : memref<1000000x64xf32, #tpu.memory_space<hbm>>) target(%dma_start3A_120 : memref<80x64xf32, #tpu.memory_space<vmem>>) offsets(%dma_start3A_122 : memref<80xi32, #tpu.memory_space<vmem>>) semaphore(%arg12 : memref<!tpu.dma_semaphore, #tpu.memory_space<semaphore_mem>>)
      %dma_start3A_126 = arith.constant 160 : i32
      %dma_start3A_127 = arith.constant 0 : i32
      %dma_start3A_128 = tpu.memref_slice %arg9[%dma_start3A_126, %dma_start3A_127] : memref<800x64xf32, #tpu.memory_space<vmem>> -> memref<80x64xf32, #tpu.memory_space<vmem>>
      %dma_start3A_129 = arith.constant 160 : i32
      %dma_start3A_130 = tpu.memref_slice %arg7[%dma_start3A_129] : memref<800xi32, #tpu.memory_space<vmem>> -> memref<80xi32, #tpu.memory_space<vmem>>
      %dma_start3A_131 = arith.constant 0 : i32
      %dma_start3A_132 = arith.constant 0 : i32
      %dma_start3A_133 = tpu.memref_slice %arg3[%dma_start3A_131, %dma_start3A_132] : memref<1000000x64xf32, #tpu.memory_space<hbm>> -> memref<1000000x64xf32, #tpu.memory_space<hbm>>
      tpu.enqueue_indirect_dma source(%dma_start3A_133 : memref<1000000x64xf32, #tpu.memory_space<hbm>>) target(%dma_start3A_128 : memref<80x64xf32, #tpu.memory_space<vmem>>) offsets(%dma_start3A_130 : memref<80xi32, #tpu.memory_space<vmem>>) semaphore(%arg12 : memref<!tpu.dma_semaphore, #tpu.memory_space<semaphore_mem>>)
      %dma_start3A_134 = arith.constant 240 : i32
      %dma_start3A_135 = arith.constant 0 : i32
      %dma_start3A_136 = tpu.memref_slice %arg9[%dma_start3A_134, %dma_start3A_135] : memref<800x64xf32, #tpu.memory_space<vmem>> -> memref<80x64xf32, #tpu.memory_space<vmem>>
      %dma_start3A_137 = arith.constant 240 : i32
      %dma_start3A_138 = tpu.memref_slice %arg7[%dma_start3A_137] : memref<800xi32, #tpu.memory_space<vmem>> -> memref<80xi32, #tpu.memory_space<vmem>>
      %dma_start3A_139 = arith.constant 0 : i32
      %dma_start3A_140 = arith.constant 0 : i32
      %dma_start3A_141 = tpu.memref_slice %arg3[%dma_start3A_139, %dma_start3A_140] : memref<1000000x64xf32, #tpu.memory_space<hbm>> -> memref<1000000x64xf32, #tpu.memory_space<hbm>>
      tpu.enqueue_indirect_dma source(%dma_start3A_141 : memref<1000000x64xf32, #tpu.memory_space<hbm>>) target(%dma_start3A_136 : memref<80x64xf32, #tpu.memory_space<vmem>>) offsets(%dma_start3A_138 : memref<80xi32, #tpu.memory_space<vmem>>) semaphore(%arg12 : memref<!tpu.dma_semaphore, #tpu.memory_space<semaphore_mem>>)
      %dma_start3A_142 = arith.constant 320 : i32
      %dma_start3A_143 = arith.constant 0 : i32
      %dma_start3A_144 = tpu.memref_slice %arg9[%dma_start3A_142, %dma_start3A_143] : memref<800x64xf32, #tpu.memory_space<vmem>> -> memref<80x64xf32, #tpu.memory_space<vmem>>
      %dma_start3A_145 = arith.constant 320 : i32
      %dma_start3A_146 = tpu.memref_slice %arg7[%dma_start3A_145] : memref<800xi32, #tpu.memory_space<vmem>> -> memref<80xi32, #tpu.memory_space<vmem>>
      %dma_start3A_147 = arith.constant 0 : i32
      %dma_start3A_148 = arith.constant 0 : i32
      %dma_start3A_149 = tpu.memref_slice %arg3[%dma_start3A_147, %dma_start3A_148] : memref<1000000x64xf32, #tpu.memory_space<hbm>> -> memref<1000000x64xf32, #tpu.memory_space<hbm>>
      tpu.enqueue_indirect_dma source(%dma_start3A_149 : memref<1000000x64xf32, #tpu.memory_space<hbm>>) target(%dma_start3A_144 : memref<80x64xf32, #tpu.memory_space<vmem>>) offsets(%dma_start3A_146 : memref<80xi32, #tpu.memory_space<vmem>>) semaphore(%arg12 : memref<!tpu.dma_semaphore, #tpu.memory_space<semaphore_mem>>)
      %dma_start3A_150 = arith.constant 400 : i32
      %dma_start3A_151 = arith.constant 0 : i32
      %dma_start3A_152 = tpu.memref_slice %arg9[%dma_start3A_150, %dma_start3A_151] : memref<800x64xf32, #tpu.memory_space<vmem>> -> memref<80x64xf32, #tpu.memory_space<vmem>>
      %dma_start3A_153 = arith.constant 400 : i32
      %dma_start3A_154 = tpu.memref_slice %arg7[%dma_start3A_153] : memref<800xi32, #tpu.memory_space<vmem>> -> memref<80xi32, #tpu.memory_space<vmem>>
      %dma_start3A_155 = arith.constant 0 : i32
      %dma_start3A_156 = arith.constant 0 : i32
      %dma_start3A_157 = tpu.memref_slice %arg3[%dma_start3A_155, %dma_start3A_156] : memref<1000000x64xf32, #tpu.memory_space<hbm>> -> memref<1000000x64xf32, #tpu.memory_space<hbm>>
      tpu.enqueue_indirect_dma source(%dma_start3A_157 : memref<1000000x64xf32, #tpu.memory_space<hbm>>) target(%dma_start3A_152 : memref<80x64xf32, #tpu.memory_space<vmem>>) offsets(%dma_start3A_154 : memref<80xi32, #tpu.memory_space<vmem>>) semaphore(%arg12 : memref<!tpu.dma_semaphore, #tpu.memory_space<semaphore_mem>>)
      %dma_start3A_158 = arith.constant 480 : i32
      %dma_start3A_159 = arith.constant 0 : i32
      %dma_start3A_160 = tpu.memref_slice %arg9[%dma_start3A_158, %dma_start3A_159] : memref<800x64xf32, #tpu.memory_space<vmem>> -> memref<80x64xf32, #tpu.memory_space<vmem>>
      %dma_start3A_161 = arith.constant 480 : i32
      %dma_start3A_162 = tpu.memref_slice %arg7[%dma_start3A_161] : memref<800xi32, #tpu.memory_space<vmem>> -> memref<80xi32, #tpu.memory_space<vmem>>
      %dma_start3A_163 = arith.constant 0 : i32
      %dma_start3A_164 = arith.constant 0 : i32
      %dma_start3A_165 = tpu.memref_slice %arg3[%dma_start3A_163, %dma_start3A_164] : memref<1000000x64xf32, #tpu.memory_space<hbm>> -> memref<1000000x64xf32, #tpu.memory_space<hbm>>
      tpu.enqueue_indirect_dma source(%dma_start3A_165 : memref<1000000x64xf32, #tpu.memory_space<hbm>>) target(%dma_start3A_160 : memref<80x64xf32, #tpu.memory_space<vmem>>) offsets(%dma_start3A_162 : memref<80xi32, #tpu.memory_space<vmem>>) semaphore(%arg12 : memref<!tpu.dma_semaphore, #tpu.memory_space<semaphore_mem>>)
      %dma_start3A_166 = arith.constant 560 : i32
      %dma_start3A_167 = arith.constant 0 : i32
      %dma_start3A_168 = tpu.memref_slice %arg9[%dma_start3A_166, %dma_start3A_167] : memref<800x64xf32, #tpu.memory_space<vmem>> -> memref<80x64xf32, #tpu.memory_space<vmem>>
      %dma_start3A_169 = arith.constant 560 : i32
      %dma_start3A_170 = tpu.memref_slice %arg7[%dma_start3A_169] : memref<800xi32, #tpu.memory_space<vmem>> -> memref<80xi32, #tpu.memory_space<vmem>>
      %dma_start3A_171 = arith.constant 0 : i32
      %dma_start3A_172 = arith.constant 0 : i32
      %dma_start3A_173 = tpu.memref_slice %arg3[%dma_start3A_171, %dma_start3A_172] : memref<1000000x64xf32, #tpu.memory_space<hbm>> -> memref<1000000x64xf32, #tpu.memory_space<hbm>>
      tpu.enqueue_indirect_dma source(%dma_start3A_173 : memref<1000000x64xf32, #tpu.memory_space<hbm>>) target(%dma_start3A_168 : memref<80x64xf32, #tpu.memory_space<vmem>>) offsets(%dma_start3A_170 : memref<80xi32, #tpu.memory_space<vmem>>) semaphore(%arg12 : memref<!tpu.dma_semaphore, #tpu.memory_space<semaphore_mem>>)
      %dma_start3A_174 = arith.constant 640 : i32
      %dma_start3A_175 = arith.constant 0 : i32
      %dma_start3A_176 = tpu.memref_slice %arg9[%dma_start3A_174, %dma_start3A_175] : memref<800x64xf32, #tpu.memory_space<vmem>> -> memref<80x64xf32, #tpu.memory_space<vmem>>
      %dma_start3A_177 = arith.constant 640 : i32
      %dma_start3A_178 = tpu.memref_slice %arg7[%dma_start3A_177] : memref<800xi32, #tpu.memory_space<vmem>> -> memref<80xi32, #tpu.memory_space<vmem>>
      %dma_start3A_179 = arith.constant 0 : i32
      %dma_start3A_180 = arith.constant 0 : i32
      %dma_start3A_181 = tpu.memref_slice %arg3[%dma_start3A_179, %dma_start3A_180] : memref<1000000x64xf32, #tpu.memory_space<hbm>> -> memref<1000000x64xf32, #tpu.memory_space<hbm>>
      tpu.enqueue_indirect_dma source(%dma_start3A_181 : memref<1000000x64xf32, #tpu.memory_space<hbm>>) target(%dma_start3A_176 : memref<80x64xf32, #tpu.memory_space<vmem>>) offsets(%dma_start3A_178 : memref<80xi32, #tpu.memory_space<vmem>>) semaphore(%arg12 : memref<!tpu.dma_semaphore, #tpu.memory_space<semaphore_mem>>)
      %dma_start3A_182 = arith.constant 720 : i32
      %dma_start3A_183 = arith.constant 0 : i32
      %dma_start3A_184 = tpu.memref_slice %arg9[%dma_start3A_182, %dma_start3A_183] : memref<800x64xf32, #tpu.memory_space<vmem>> -> memref<80x64xf32, #tpu.memory_space<vmem>>
      %dma_start3A_185 = arith.constant 720 : i32
      %dma_start3A_186 = tpu.memref_slice %arg7[%dma_start3A_185] : memref<800xi32, #tpu.memory_space<vmem>> -> memref<80xi32, #tpu.memory_space<vmem>>
      %dma_start3A_187 = arith.constant 0 : i32
      %dma_start3A_188 = arith.constant 0 : i32
      %dma_start3A_189 = tpu.memref_slice %arg3[%dma_start3A_187, %dma_start3A_188] : memref<1000000x64xf32, #tpu.memory_space<hbm>> -> memref<1000000x64xf32, #tpu.memory_space<hbm>>
      tpu.enqueue_indirect_dma source(%dma_start3A_189 : memref<1000000x64xf32, #tpu.memory_space<hbm>>) target(%dma_start3A_184 : memref<80x64xf32, #tpu.memory_space<vmem>>) offsets(%dma_start3A_186 : memref<80xi32, #tpu.memory_space<vmem>>) semaphore(%arg12 : memref<!tpu.dma_semaphore, #tpu.memory_space<semaphore_mem>>)
      %dma_wait3A_190 = arith.constant 0 : i32
      %dma_wait3A_191 = arith.constant 0 : i32
      %dma_wait3A_192 = tpu.memref_slice %arg5[%dma_wait3A_190, %dma_wait3A_191] : memref<819200x64xf32, #tpu.memory_space<hbm>> -> memref<800x64xf32, #tpu.memory_space<hbm>>
      %dma_wait3A_193 = arith.constant 0 : i32
      %dma_wait3A_194 = arith.constant 0 : i32
      %dma_wait3A_195 = tpu.memref_slice %arg5[%dma_wait3A_193, %dma_wait3A_194] : memref<819200x64xf32, #tpu.memory_space<hbm>> -> memref<800x64xf32, #tpu.memory_space<hbm>>
      tpu.wait_dma2 semaphore(%arg11 : memref<!tpu.dma_semaphore, #tpu.memory_space<semaphore_mem>>) src(%dma_wait3A_195 : memref<800x64xf32, #tpu.memory_space<hbm>>) dst(%arg8 : memref<800x64xf32, #tpu.memory_space<vmem>>)
      %parallel_loop3A = arith.constant 0 : i32
      %parallel_loop3A_196 = arith.constant 200 : i32
      %parallel_loop3A_197 = arith.constant 1 : i32
      scf.for %parallel_loop3A_231 = %parallel_loop3A to %parallel_loop3A_196 step %parallel_loop3A_197  : i32 {
        %parallel_loop3A_232 = arith.constant 64 : i32
        %parallel_loop3A_233 = arith.muli %parallel_loop3A_231, %parallel_loop3A_232 : i32
        %parallel_loop3A_234 = arith.constant 0 : i32
        %parallel_loop3A_235 = arith.addi %parallel_loop3A_233, %parallel_loop3A_234 : i32
        %parallel_loop3A_236 = arith.index_cast %parallel_loop3A_235 : i32 to index
        %parallel_loop3A_237 = tpu.vector_load %arg10[%parallel_loop3A_236] {strides = array<i32>} : memref<12800xf32, #tpu.memory_space<vmem>>, vector<16xf32>,
        %parallel_loop3A_238 = vector.shape_cast %parallel_loop3A_237 : vector<16xf32> to vector<16xf32>
        %parallel_loop3A_239 = arith.constant 0 : i32
        %parallel_loop3A_240 = arith.addi %parallel_loop3A_239, %parallel_loop3A_231 : i32
        %parallel_loop3A_241 = arith.index_cast %parallel_loop3A_240 : i32 to index
        %parallel_loop3A_242 = arith.constant 0 : index
        %parallel_loop3A_243 = tpu.vector_load %arg8[%parallel_loop3A_241, %parallel_loop3A_242] {strides = array<i32>} : memref<800x64xf32, #tpu.memory_space<vmem>>, vector<1x16xf32>,
        %parallel_loop3A_244 = vector.shape_cast %parallel_loop3A_243 : vector<1x16xf32> to vector<16xf32>
        %parallel_loop3A_245 = vector.shape_cast %parallel_loop3A_238 : vector<16xf32> to vector<1x16xf32>
        tpu.vector_store %arg8[%parallel_loop3A_241, %parallel_loop3A_242], %parallel_loop3A_245 {add = true, strides = array<i32>} : memref<800x64xf32, #tpu.memory_space<vmem>>, vector<1x16xf32>,
        %parallel_loop3A_246 = arith.constant 200 : i32
        %parallel_loop3A_247 = arith.addi %parallel_loop3A_246, %parallel_loop3A_231 : i32
        %parallel_loop3A_248 = arith.index_cast %parallel_loop3A_247 : i32 to index
        %parallel_loop3A_249 = arith.constant 0 : index
        %parallel_loop3A_250 = tpu.vector_load %arg8[%parallel_loop3A_248, %parallel_loop3A_249] {strides = array<i32>} : memref<800x64xf32, #tpu.memory_space<vmem>>, vector<1x16xf32>,
        %parallel_loop3A_251 = vector.shape_cast %parallel_loop3A_250 : vector<1x16xf32> to vector<16xf32>
        %parallel_loop3A_252 = vector.shape_cast %parallel_loop3A_238 : vector<16xf32> to vector<1x16xf32>
        tpu.vector_store %arg8[%parallel_loop3A_248, %parallel_loop3A_249], %parallel_loop3A_252 {add = true, strides = array<i32>} : memref<800x64xf32, #tpu.memory_space<vmem>>, vector<1x16xf32>,
        %parallel_loop3A_253 = arith.constant 400 : i32
        %parallel_loop3A_254 = arith.addi %parallel_loop3A_253, %parallel_loop3A_231 : i32
        %parallel_loop3A_255 = arith.index_cast %parallel_loop3A_254 : i32 to index
        %parallel_loop3A_256 = arith.constant 0 : index
        %parallel_loop3A_257 = tpu.vector_load %arg8[%parallel_loop3A_255, %parallel_loop3A_256] {strides = array<i32>} : memref<800x64xf32, #tpu.memory_space<vmem>>, vector<1x16xf32>,
        %parallel_loop3A_258 = vector.shape_cast %parallel_loop3A_257 : vector<1x16xf32> to vector<16xf32>
        %parallel_loop3A_259 = vector.shape_cast %parallel_loop3A_238 : vector<16xf32> to vector<1x16xf32>
        tpu.vector_store %arg8[%parallel_loop3A_255, %parallel_loop3A_256], %parallel_loop3A_259 {add = true, strides = array<i32>} : memref<800x64xf32, #tpu.memory_space<vmem>>, vector<1x16xf32>,
        %parallel_loop3A_260 = arith.constant 600 : i32
        %parallel_loop3A_261 = arith.addi %parallel_loop3A_260, %parallel_loop3A_231 : i32
        %parallel_loop3A_262 = arith.index_cast %parallel_loop3A_261 : i32 to index
        %parallel_loop3A_263 = arith.constant 0 : index
        %parallel_loop3A_264 = tpu.vector_load %arg8[%parallel_loop3A_262, %parallel_loop3A_263] {strides = array<i32>} : memref<800x64xf32, #tpu.memory_space<vmem>>, vector<1x16xf32>,
        %parallel_loop3A_265 = vector.shape_cast %parallel_loop3A_264 : vector<1x16xf32> to vector<16xf32>
        %parallel_loop3A_266 = vector.shape_cast %parallel_loop3A_238 : vector<16xf32> to vector<1x16xf32>
        tpu.vector_store %arg8[%parallel_loop3A_262, %parallel_loop3A_263], %parallel_loop3A_266 {add = true, strides = array<i32>} : memref<800x64xf32, #tpu.memory_space<vmem>>, vector<1x16xf32>,
        %parallel_loop3A_267 = arith.constant 64 : i32
        %parallel_loop3A_268 = arith.muli %parallel_loop3A_231, %parallel_loop3A_267 : i32
        %parallel_loop3A_269 = arith.constant 16 : i32
        %parallel_loop3A_270 = arith.addi %parallel_loop3A_268, %parallel_loop3A_269 : i32
        %parallel_loop3A_271 = arith.index_cast %parallel_loop3A_270 : i32 to index
        %parallel_loop3A_272 = tpu.vector_load %arg10[%parallel_loop3A_271] {strides = array<i32>} : memref<12800xf32, #tpu.memory_space<vmem>>, vector<16xf32>,
        %parallel_loop3A_273 = vector.shape_cast %parallel_loop3A_272 : vector<16xf32> to vector<16xf32>
        %parallel_loop3A_274 = arith.constant 0 : i32
        %parallel_loop3A_275 = arith.addi %parallel_loop3A_274, %parallel_loop3A_231 : i32
        %parallel_loop3A_276 = arith.index_cast %parallel_loop3A_275 : i32 to index
        %parallel_loop3A_277 = arith.constant 16 : index
        %parallel_loop3A_278 = tpu.vector_load %arg8[%parallel_loop3A_276, %parallel_loop3A_277] {strides = array<i32>} : memref<800x64xf32, #tpu.memory_space<vmem>>, vector<1x16xf32>,
        %parallel_loop3A_279 = vector.shape_cast %parallel_loop3A_278 : vector<1x16xf32> to vector<16xf32>
        %parallel_loop3A_280 = vector.shape_cast %parallel_loop3A_273 : vector<16xf32> to vector<1x16xf32>
        tpu.vector_store %arg8[%parallel_loop3A_276, %parallel_loop3A_277], %parallel_loop3A_280 {add = true, strides = array<i32>} : memref<800x64xf32, #tpu.memory_space<vmem>>, vector<1x16xf32>,
        %parallel_loop3A_281 = arith.constant 200 : i32
        %parallel_loop3A_282 = arith.addi %parallel_loop3A_281, %parallel_loop3A_231 : i32
        %parallel_loop3A_283 = arith.index_cast %parallel_loop3A_282 : i32 to index
        %parallel_loop3A_284 = arith.constant 16 : index
        %parallel_loop3A_285 = tpu.vector_load %arg8[%parallel_loop3A_283, %parallel_loop3A_284] {strides = array<i32>} : memref<800x64xf32, #tpu.memory_space<vmem>>, vector<1x16xf32>,
        %parallel_loop3A_286 = vector.shape_cast %parallel_loop3A_285 : vector<1x16xf32> to vector<16xf32>
        %parallel_loop3A_287 = vector.shape_cast %parallel_loop3A_273 : vector<16xf32> to vector<1x16xf32>
        tpu.vector_store %arg8[%parallel_loop3A_283, %parallel_loop3A_284], %parallel_loop3A_287 {add = true, strides = array<i32>} : memref<800x64xf32, #tpu.memory_space<vmem>>, vector<1x16xf32>,
        %parallel_loop3A_288 = arith.constant 400 : i32
        %parallel_loop3A_289 = arith.addi %parallel_loop3A_288, %parallel_loop3A_231 : i32
        %parallel_loop3A_290 = arith.index_cast %parallel_loop3A_289 : i32 to index
        %parallel_loop3A_291 = arith.constant 16 : index
        %parallel_loop3A_292 = tpu.vector_load %arg8[%parallel_loop3A_290, %parallel_loop3A_291] {strides = array<i32>} : memref<800x64xf32, #tpu.memory_space<vmem>>, vector<1x16xf32>,
        %parallel_loop3A_293 = vector.shape_cast %parallel_loop3A_292 : vector<1x16xf32> to vector<16xf32>
        %parallel_loop3A_294 = vector.shape_cast %parallel_loop3A_273 : vector<16xf32> to vector<1x16xf32>
        tpu.vector_store %arg8[%parallel_loop3A_290, %parallel_loop3A_291], %parallel_loop3A_294 {add = true, strides = array<i32>} : memref<800x64xf32, #tpu.memory_space<vmem>>, vector<1x16xf32>,
        %parallel_loop3A_295 = arith.constant 600 : i32
        %parallel_loop3A_296 = arith.addi %parallel_loop3A_295, %parallel_loop3A_231 : i32
        %parallel_loop3A_297 = arith.index_cast %parallel_loop3A_296 : i32 to index
        %parallel_loop3A_298 = arith.constant 16 : index
        %parallel_loop3A_299 = tpu.vector_load %arg8[%parallel_loop3A_297, %parallel_loop3A_298] {strides = array<i32>} : memref<800x64xf32, #tpu.memory_space<vmem>>, vector<1x16xf32>,
        %parallel_loop3A_300 = vector.shape_cast %parallel_loop3A_299 : vector<1x16xf32> to vector<16xf32>
        %parallel_loop3A_301 = vector.shape_cast %parallel_loop3A_273 : vector<16xf32> to vector<1x16xf32>
        tpu.vector_store %arg8[%parallel_loop3A_297, %parallel_loop3A_298], %parallel_loop3A_301 {add = true, strides = array<i32>} : memref<800x64xf32, #tpu.memory_space<vmem>>, vector<1x16xf32>,
        %parallel_loop3A_302 = arith.constant 64 : i32
        %parallel_loop3A_303 = arith.muli %parallel_loop3A_231, %parallel_loop3A_302 : i32
        %parallel_loop3A_304 = arith.constant 32 : i32
        %parallel_loop3A_305 = arith.addi %parallel_loop3A_303, %parallel_loop3A_304 : i32
        %parallel_loop3A_306 = arith.index_cast %parallel_loop3A_305 : i32 to index
        %parallel_loop3A_307 = tpu.vector_load %arg10[%parallel_loop3A_306] {strides = array<i32>} : memref<12800xf32, #tpu.memory_space<vmem>>, vector<16xf32>,
        %parallel_loop3A_308 = vector.shape_cast %parallel_loop3A_307 : vector<16xf32> to vector<16xf32>
        %parallel_loop3A_309 = arith.constant 0 : i32
        %parallel_loop3A_310 = arith.addi %parallel_loop3A_309, %parallel_loop3A_231 : i32
        %parallel_loop3A_311 = arith.index_cast %parallel_loop3A_310 : i32 to index
        %parallel_loop3A_312 = arith.constant 32 : index
        %parallel_loop3A_313 = tpu.vector_load %arg8[%parallel_loop3A_311, %parallel_loop3A_312] {strides = array<i32>} : memref<800x64xf32, #tpu.memory_space<vmem>>, vector<1x16xf32>,
        %parallel_loop3A_314 = vector.shape_cast %parallel_loop3A_313 : vector<1x16xf32> to vector<16xf32>
        %parallel_loop3A_315 = vector.shape_cast %parallel_loop3A_308 : vector<16xf32> to vector<1x16xf32>
        tpu.vector_store %arg8[%parallel_loop3A_311, %parallel_loop3A_312], %parallel_loop3A_315 {add = true, strides = array<i32>} : memref<800x64xf32, #tpu.memory_space<vmem>>, vector<1x16xf32>,
        %parallel_loop3A_316 = arith.constant 200 : i32
        %parallel_loop3A_317 = arith.addi %parallel_loop3A_316, %parallel_loop3A_231 : i32
        %parallel_loop3A_318 = arith.index_cast %parallel_loop3A_317 : i32 to index
        %parallel_loop3A_319 = arith.constant 32 : index
        %parallel_loop3A_320 = tpu.vector_load %arg8[%parallel_loop3A_318, %parallel_loop3A_319] {strides = array<i32>} : memref<800x64xf32, #tpu.memory_space<vmem>>, vector<1x16xf32>,
        %parallel_loop3A_321 = vector.shape_cast %parallel_loop3A_320 : vector<1x16xf32> to vector<16xf32>
        %parallel_loop3A_322 = vector.shape_cast %parallel_loop3A_308 : vector<16xf32> to vector<1x16xf32>
        tpu.vector_store %arg8[%parallel_loop3A_318, %parallel_loop3A_319], %parallel_loop3A_322 {add = true, strides = array<i32>} : memref<800x64xf32, #tpu.memory_space<vmem>>, vector<1x16xf32>,
        %parallel_loop3A_323 = arith.constant 400 : i32
        %parallel_loop3A_324 = arith.addi %parallel_loop3A_323, %parallel_loop3A_231 : i32
        %parallel_loop3A_325 = arith.index_cast %parallel_loop3A_324 : i32 to index
        %parallel_loop3A_326 = arith.constant 32 : index
        %parallel_loop3A_327 = tpu.vector_load %arg8[%parallel_loop3A_325, %parallel_loop3A_326] {strides = array<i32>} : memref<800x64xf32, #tpu.memory_space<vmem>>, vector<1x16xf32>,
        %parallel_loop3A_328 = vector.shape_cast %parallel_loop3A_327 : vector<1x16xf32> to vector<16xf32>
        %parallel_loop3A_329 = vector.shape_cast %parallel_loop3A_308 : vector<16xf32> to vector<1x16xf32>
        tpu.vector_store %arg8[%parallel_loop3A_325, %parallel_loop3A_326], %parallel_loop3A_329 {add = true, strides = array<i32>} : memref<800x64xf32, #tpu.memory_space<vmem>>, vector<1x16xf32>,
        %parallel_loop3A_330 = arith.constant 600 : i32
        %parallel_loop3A_331 = arith.addi %parallel_loop3A_330, %parallel_loop3A_231 : i32
        %parallel_loop3A_332 = arith.index_cast %parallel_loop3A_331 : i32 to index
        %parallel_loop3A_333 = arith.constant 32 : index
        %parallel_loop3A_334 = tpu.vector_load %arg8[%parallel_loop3A_332, %parallel_loop3A_333] {strides = array<i32>} : memref<800x64xf32, #tpu.memory_space<vmem>>, vector<1x16xf32>,
        %parallel_loop3A_335 = vector.shape_cast %parallel_loop3A_334 : vector<1x16xf32> to vector<16xf32>
        %parallel_loop3A_336 = vector.shape_cast %parallel_loop3A_308 : vector<16xf32> to vector<1x16xf32>
        tpu.vector_store %arg8[%parallel_loop3A_332, %parallel_loop3A_333], %parallel_loop3A_336 {add = true, strides = array<i32>} : memref<800x64xf32, #tpu.memory_space<vmem>>, vector<1x16xf32>,
        %parallel_loop3A_337 = arith.constant 64 : i32
        %parallel_loop3A_338 = arith.muli %parallel_loop3A_231, %parallel_loop3A_337 : i32
        %parallel_loop3A_339 = arith.constant 48 : i32
        %parallel_loop3A_340 = arith.addi %parallel_loop3A_338, %parallel_loop3A_339 : i32
        %parallel_loop3A_341 = arith.index_cast %parallel_loop3A_340 : i32 to index
        %parallel_loop3A_342 = tpu.vector_load %arg10[%parallel_loop3A_341] {strides = array<i32>} : memref<12800xf32, #tpu.memory_space<vmem>>, vector<16xf32>,
        %parallel_loop3A_343 = vector.shape_cast %parallel_loop3A_342 : vector<16xf32> to vector<16xf32>
        %parallel_loop3A_344 = arith.constant 0 : i32
        %parallel_loop3A_345 = arith.addi %parallel_loop3A_344, %parallel_loop3A_231 : i32
        %parallel_loop3A_346 = arith.index_cast %parallel_loop3A_345 : i32 to index
        %parallel_loop3A_347 = arith.constant 48 : index
        %parallel_loop3A_348 = tpu.vector_load %arg8[%parallel_loop3A_346, %parallel_loop3A_347] {strides = array<i32>} : memref<800x64xf32, #tpu.memory_space<vmem>>, vector<1x16xf32>,
        %parallel_loop3A_349 = vector.shape_cast %parallel_loop3A_348 : vector<1x16xf32> to vector<16xf32>
        %parallel_loop3A_350 = vector.shape_cast %parallel_loop3A_343 : vector<16xf32> to vector<1x16xf32>
        tpu.vector_store %arg8[%parallel_loop3A_346, %parallel_loop3A_347], %parallel_loop3A_350 {add = true, strides = array<i32>} : memref<800x64xf32, #tpu.memory_space<vmem>>, vector<1x16xf32>,
        %parallel_loop3A_351 = arith.constant 200 : i32
        %parallel_loop3A_352 = arith.addi %parallel_loop3A_351, %parallel_loop3A_231 : i32
        %parallel_loop3A_353 = arith.index_cast %parallel_loop3A_352 : i32 to index
        %parallel_loop3A_354 = arith.constant 48 : index
        %parallel_loop3A_355 = tpu.vector_load %arg8[%parallel_loop3A_353, %parallel_loop3A_354] {strides = array<i32>} : memref<800x64xf32, #tpu.memory_space<vmem>>, vector<1x16xf32>,
        %parallel_loop3A_356 = vector.shape_cast %parallel_loop3A_355 : vector<1x16xf32> to vector<16xf32>
        %parallel_loop3A_357 = vector.shape_cast %parallel_loop3A_343 : vector<16xf32> to vector<1x16xf32>
        tpu.vector_store %arg8[%parallel_loop3A_353, %parallel_loop3A_354], %parallel_loop3A_357 {add = true, strides = array<i32>} : memref<800x64xf32, #tpu.memory_space<vmem>>, vector<1x16xf32>,
        %parallel_loop3A_358 = arith.constant 400 : i32
        %parallel_loop3A_359 = arith.addi %parallel_loop3A_358, %parallel_loop3A_231 : i32
        %parallel_loop3A_360 = arith.index_cast %parallel_loop3A_359 : i32 to index
        %parallel_loop3A_361 = arith.constant 48 : index
        %parallel_loop3A_362 = tpu.vector_load %arg8[%parallel_loop3A_360, %parallel_loop3A_361] {strides = array<i32>} : memref<800x64xf32, #tpu.memory_space<vmem>>, vector<1x16xf32>,
        %parallel_loop3A_363 = vector.shape_cast %parallel_loop3A_362 : vector<1x16xf32> to vector<16xf32>
        %parallel_loop3A_364 = vector.shape_cast %parallel_loop3A_343 : vector<16xf32> to vector<1x16xf32>
        tpu.vector_store %arg8[%parallel_loop3A_360, %parallel_loop3A_361], %parallel_loop3A_364 {add = true, strides = array<i32>} : memref<800x64xf32, #tpu.memory_space<vmem>>, vector<1x16xf32>,
        %parallel_loop3A_365 = arith.constant 600 : i32
        %parallel_loop3A_366 = arith.addi %parallel_loop3A_365, %parallel_loop3A_231 : i32
        %parallel_loop3A_367 = arith.index_cast %parallel_loop3A_366 : i32 to index
        %parallel_loop3A_368 = arith.constant 48 : index
        %parallel_loop3A_369 = tpu.vector_load %arg8[%parallel_loop3A_367, %parallel_loop3A_368] {strides = array<i32>} : memref<800x64xf32, #tpu.memory_space<vmem>>, vector<1x16xf32>,
        %parallel_loop3A_370 = vector.shape_cast %parallel_loop3A_369 : vector<1x16xf32> to vector<16xf32>
        %parallel_loop3A_371 = vector.shape_cast %parallel_loop3A_343 : vector<16xf32> to vector<1x16xf32>
        tpu.vector_store %arg8[%parallel_loop3A_367, %parallel_loop3A_368], %parallel_loop3A_371 {add = true, strides = array<i32>} : memref<800x64xf32, #tpu.memory_space<vmem>>, vector<1x16xf32>,
      } {sc.loop_unroll_factor = 4 : i64, sc.parallel_access}
      %mul3A_198 = arith.constant 2 : i32
      %mul3A_199 = arith.muli %mul3A_198, %scan3A_100 : i32
      %mul3A_200 = arith.constant 800 : i32
      %mul3A_201 = arith.muli %mul3A_199, %mul3A_200 : i32
      %add3A_202 = arith.addi %mul3A_2, %mul3A_201 : i32
      %dma_start3A_203 = arith.constant 0 : i32
      %dma_start3A_204 = tpu.memref_slice %arg5[%add3A_202, %dma_start3A_203] : memref<819200x64xf32, #tpu.memory_space<hbm>> -> memref<800x64xf32, #tpu.memory_space<hbm>>
      %dma_start3A_205 = arith.constant 0 : i32
      %dma_start3A_206 = tpu.memref_slice %arg5[%add3A_202, %dma_start3A_205] : memref<819200x64xf32, #tpu.memory_space<hbm>> -> memref<800x64xf32, #tpu.memory_space<hbm>>
      tpu.enqueue_dma source(%arg8 : memref<800x64xf32, #tpu.memory_space<vmem>>) target(%dma_start3A_206 : memref<800x64xf32, #tpu.memory_space<hbm>>) target_semaphore(%arg13 : memref<!tpu.dma_semaphore, #tpu.memory_space<semaphore_mem>>)
      %lt3A = arith.constant 15 : i32
      %lt3A_207 = arith.cmpi slt, %scan3A_100, %lt3A : i32
      %convert_element_type3A_208 = arith.extui %lt3A_207 : i1 to i32
      %cond3A_209 = arith.constant 0 : i32
      %cond3A_210 = arith.cmpi ne, %convert_element_type3A_208, %cond3A_209 : i32
      scf.if %cond3A_210 {
        %dma_wait3A_231 = arith.constant 0 : i32
        %dma_wait3A_232 = arith.constant 0 : i32
        %dma_wait3A_233 = tpu.memref_slice %arg5[%dma_wait3A_231, %dma_wait3A_232] : memref<819200x64xf32, #tpu.memory_space<hbm>> -> memref<800x64xf32, #tpu.memory_space<hbm>>
        %dma_wait3A_234 = arith.constant 0 : i32
        %dma_wait3A_235 = arith.constant 0 : i32
        %dma_wait3A_236 = tpu.memref_slice %arg5[%dma_wait3A_234, %dma_wait3A_235] : memref<819200x64xf32, #tpu.memory_space<hbm>> -> memref<800x64xf32, #tpu.memory_space<hbm>>
        tpu.wait_dma2 semaphore(%arg13 : memref<!tpu.dma_semaphore, #tpu.memory_space<semaphore_mem>>) src(%arg8 : memref<800x64xf32, #tpu.memory_space<vmem>>) dst(%dma_wait3A_236 : memref<800x64xf32, #tpu.memory_space<hbm>>)
        %mul3A_237 = arith.constant 2 : i32
        %mul3A_238 = arith.muli %mul3A_237, %scan3A_100 : i32
        %add3A_239 = arith.constant 2 : i32
        %add3A_240 = arith.addi %mul3A_238, %add3A_239 : i32
        %mul3A_241 = arith.constant 800 : i32
        %mul3A_242 = arith.muli %add3A_240, %mul3A_241 : i32
        %add3A_243 = arith.addi %mul3A_2, %mul3A_242 : i32
        "tpu.region"() ({
          %run_scoped3A = tpu.sem_alloc : memref<!tpu.dma_semaphore, #tpu.memory_space<semaphore_mem>>
          %dma_start3A_324 = tpu.memref_slice %arg2[%add3A_243] : memref<819200xi32, #tpu.memory_space<hbm>> -> memref<800xi32, #tpu.memory_space<hbm>>
          %dma_start3A_325 = tpu.memref_slice %arg2[%add3A_243] : memref<819200xi32, #tpu.memory_space<hbm>> -> memref<800xi32, #tpu.memory_space<hbm>>
          tpu.enqueue_dma source(%dma_start3A_325 : memref<800xi32, #tpu.memory_space<hbm>>) target(%arg6 : memref<800xi32, #tpu.memory_space<vmem>>) target_semaphore(%run_scoped3A : memref<!tpu.dma_semaphore, #tpu.memory_space<semaphore_mem>>)
          %dma_wait3A_326 = tpu.memref_slice %arg2[%add3A_243] : memref<819200xi32, #tpu.memory_space<hbm>> -> memref<800xi32, #tpu.memory_space<hbm>>
          %dma_wait3A_327 = tpu.memref_slice %arg2[%add3A_243] : memref<819200xi32, #tpu.memory_space<hbm>> -> memref<800xi32, #tpu.memory_space<hbm>>
          tpu.wait_dma2 semaphore(%run_scoped3A : memref<!tpu.dma_semaphore, #tpu.memory_space<semaphore_mem>>) src(%dma_wait3A_327 : memref<800xi32, #tpu.memory_space<hbm>>) dst(%arg6 : memref<800xi32, #tpu.memory_space<vmem>>)
          tpu.yield
        }) : () -> ()
        %dma_start3A_244 = arith.constant 0 : i32
        %dma_start3A_245 = arith.constant 0 : i32
        %dma_start3A_246 = tpu.memref_slice %arg8[%dma_start3A_244, %dma_start3A_245] : memref<800x64xf32, #tpu.memory_space<vmem>> -> memref<80x64xf32, #tpu.memory_space<vmem>>
        %dma_start3A_247 = arith.constant 0 : i32
        %dma_start3A_248 = tpu.memref_slice %arg6[%dma_start3A_247] : memref<800xi32, #tpu.memory_space<vmem>> -> memref<80xi32, #tpu.memory_space<vmem>>
        %dma_start3A_249 = arith.constant 0 : i32
        %dma_start3A_250 = arith.constant 0 : i32
        %dma_start3A_251 = tpu.memref_slice %arg3[%dma_start3A_249, %dma_start3A_250] : memref<1000000x64xf32, #tpu.memory_space<hbm>> -> memref<1000000x64xf32, #tpu.memory_space<hbm>>
        tpu.enqueue_indirect_dma source(%dma_start3A_251 : memref<1000000x64xf32, #tpu.memory_space<hbm>>) target(%dma_start3A_246 : memref<80x64xf32, #tpu.memory_space<vmem>>) offsets(%dma_start3A_248 : memref<80xi32, #tpu.memory_space<vmem>>) semaphore(%arg11 : memref<!tpu.dma_semaphore, #tpu.memory_space<semaphore_mem>>)
        %dma_start3A_252 = arith.constant 80 : i32
        %dma_start3A_253 = arith.constant 0 : i32
        %dma_start3A_254 = tpu.memref_slice %arg8[%dma_start3A_252, %dma_start3A_253] : memref<800x64xf32, #tpu.memory_space<vmem>> -> memref<80x64xf32, #tpu.memory_space<vmem>>
        %dma_start3A_255 = arith.constant 80 : i32
        %dma_start3A_256 = tpu.memref_slice %arg6[%dma_start3A_255] : memref<800xi32, #tpu.memory_space<vmem>> -> memref<80xi32, #tpu.memory_space<vmem>>
        %dma_start3A_257 = arith.constant 0 : i32
        %dma_start3A_258 = arith.constant 0 : i32
        %dma_start3A_259 = tpu.memref_slice %arg3[%dma_start3A_257, %dma_start3A_258] : memref<1000000x64xf32, #tpu.memory_space<hbm>> -> memref<1000000x64xf32, #tpu.memory_space<hbm>>
        tpu.enqueue_indirect_dma source(%dma_start3A_259 : memref<1000000x64xf32, #tpu.memory_space<hbm>>) target(%dma_start3A_254 : memref<80x64xf32, #tpu.memory_space<vmem>>) offsets(%dma_start3A_256 : memref<80xi32, #tpu.memory_space<vmem>>) semaphore(%arg11 : memref<!tpu.dma_semaphore, #tpu.memory_space<semaphore_mem>>)
        %dma_start3A_260 = arith.constant 160 : i32
        %dma_start3A_261 = arith.constant 0 : i32
        %dma_start3A_262 = tpu.memref_slice %arg8[%dma_start3A_260, %dma_start3A_261] : memref<800x64xf32, #tpu.memory_space<vmem>> -> memref<80x64xf32, #tpu.memory_space<vmem>>
        %dma_start3A_263 = arith.constant 160 : i32
        %dma_start3A_264 = tpu.memref_slice %arg6[%dma_start3A_263] : memref<800xi32, #tpu.memory_space<vmem>> -> memref<80xi32, #tpu.memory_space<vmem>>
        %dma_start3A_265 = arith.constant 0 : i32
        %dma_start3A_266 = arith.constant 0 : i32
        %dma_start3A_267 = tpu.memref_slice %arg3[%dma_start3A_265, %dma_start3A_266] : memref<1000000x64xf32, #tpu.memory_space<hbm>> -> memref<1000000x64xf32, #tpu.memory_space<hbm>>
        tpu.enqueue_indirect_dma source(%dma_start3A_267 : memref<1000000x64xf32, #tpu.memory_space<hbm>>) target(%dma_start3A_262 : memref<80x64xf32, #tpu.memory_space<vmem>>) offsets(%dma_start3A_264 : memref<80xi32, #tpu.memory_space<vmem>>) semaphore(%arg11 : memref<!tpu.dma_semaphore, #tpu.memory_space<semaphore_mem>>)
        %dma_start3A_268 = arith.constant 240 : i32
        %dma_start3A_269 = arith.constant 0 : i32
        %dma_start3A_270 = tpu.memref_slice %arg8[%dma_start3A_268, %dma_start3A_269] : memref<800x64xf32, #tpu.memory_space<vmem>> -> memref<80x64xf32, #tpu.memory_space<vmem>>
        %dma_start3A_271 = arith.constant 240 : i32
        %dma_start3A_272 = tpu.memref_slice %arg6[%dma_start3A_271] : memref<800xi32, #tpu.memory_space<vmem>> -> memref<80xi32, #tpu.memory_space<vmem>>
        %dma_start3A_273 = arith.constant 0 : i32
        %dma_start3A_274 = arith.constant 0 : i32
        %dma_start3A_275 = tpu.memref_slice %arg3[%dma_start3A_273, %dma_start3A_274] : memref<1000000x64xf32, #tpu.memory_space<hbm>> -> memref<1000000x64xf32, #tpu.memory_space<hbm>>
        tpu.enqueue_indirect_dma source(%dma_start3A_275 : memref<1000000x64xf32, #tpu.memory_space<hbm>>) target(%dma_start3A_270 : memref<80x64xf32, #tpu.memory_space<vmem>>) offsets(%dma_start3A_272 : memref<80xi32, #tpu.memory_space<vmem>>) semaphore(%arg11 : memref<!tpu.dma_semaphore, #tpu.memory_space<semaphore_mem>>)
        %dma_start3A_276 = arith.constant 320 : i32
        %dma_start3A_277 = arith.constant 0 : i32
        %dma_start3A_278 = tpu.memref_slice %arg8[%dma_start3A_276, %dma_start3A_277] : memref<800x64xf32, #tpu.memory_space<vmem>> -> memref<80x64xf32, #tpu.memory_space<vmem>>
        %dma_start3A_279 = arith.constant 320 : i32
        %dma_start3A_280 = tpu.memref_slice %arg6[%dma_start3A_279] : memref<800xi32, #tpu.memory_space<vmem>> -> memref<80xi32, #tpu.memory_space<vmem>>
        %dma_start3A_281 = arith.constant 0 : i32
        %dma_start3A_282 = arith.constant 0 : i32
        %dma_start3A_283 = tpu.memref_slice %arg3[%dma_start3A_281, %dma_start3A_282] : memref<1000000x64xf32, #tpu.memory_space<hbm>> -> memref<1000000x64xf32, #tpu.memory_space<hbm>>
        tpu.enqueue_indirect_dma source(%dma_start3A_283 : memref<1000000x64xf32, #tpu.memory_space<hbm>>) target(%dma_start3A_278 : memref<80x64xf32, #tpu.memory_space<vmem>>) offsets(%dma_start3A_280 : memref<80xi32, #tpu.memory_space<vmem>>) semaphore(%arg11 : memref<!tpu.dma_semaphore, #tpu.memory_space<semaphore_mem>>)
        %dma_start3A_284 = arith.constant 400 : i32
        %dma_start3A_285 = arith.constant 0 : i32
        %dma_start3A_286 = tpu.memref_slice %arg8[%dma_start3A_284, %dma_start3A_285] : memref<800x64xf32, #tpu.memory_space<vmem>> -> memref<80x64xf32, #tpu.memory_space<vmem>>
        %dma_start3A_287 = arith.constant 400 : i32
        %dma_start3A_288 = tpu.memref_slice %arg6[%dma_start3A_287] : memref<800xi32, #tpu.memory_space<vmem>> -> memref<80xi32, #tpu.memory_space<vmem>>
        %dma_start3A_289 = arith.constant 0 : i32
        %dma_start3A_290 = arith.constant 0 : i32
        %dma_start3A_291 = tpu.memref_slice %arg3[%dma_start3A_289, %dma_start3A_290] : memref<1000000x64xf32, #tpu.memory_space<hbm>> -> memref<1000000x64xf32, #tpu.memory_space<hbm>>
        tpu.enqueue_indirect_dma source(%dma_start3A_291 : memref<1000000x64xf32, #tpu.memory_space<hbm>>) target(%dma_start3A_286 : memref<80x64xf32, #tpu.memory_space<vmem>>) offsets(%dma_start3A_288 : memref<80xi32, #tpu.memory_space<vmem>>) semaphore(%arg11 : memref<!tpu.dma_semaphore, #tpu.memory_space<semaphore_mem>>)
        %dma_start3A_292 = arith.constant 480 : i32
        %dma_start3A_293 = arith.constant 0 : i32
        %dma_start3A_294 = tpu.memref_slice %arg8[%dma_start3A_292, %dma_start3A_293] : memref<800x64xf32, #tpu.memory_space<vmem>> -> memref<80x64xf32, #tpu.memory_space<vmem>>
        %dma_start3A_295 = arith.constant 480 : i32
        %dma_start3A_296 = tpu.memref_slice %arg6[%dma_start3A_295] : memref<800xi32, #tpu.memory_space<vmem>> -> memref<80xi32, #tpu.memory_space<vmem>>
        %dma_start3A_297 = arith.constant 0 : i32
        %dma_start3A_298 = arith.constant 0 : i32
        %dma_start3A_299 = tpu.memref_slice %arg3[%dma_start3A_297, %dma_start3A_298] : memref<1000000x64xf32, #tpu.memory_space<hbm>> -> memref<1000000x64xf32, #tpu.memory_space<hbm>>
        tpu.enqueue_indirect_dma source(%dma_start3A_299 : memref<1000000x64xf32, #tpu.memory_space<hbm>>) target(%dma_start3A_294 : memref<80x64xf32, #tpu.memory_space<vmem>>) offsets(%dma_start3A_296 : memref<80xi32, #tpu.memory_space<vmem>>) semaphore(%arg11 : memref<!tpu.dma_semaphore, #tpu.memory_space<semaphore_mem>>)
        %dma_start3A_300 = arith.constant 560 : i32
        %dma_start3A_301 = arith.constant 0 : i32
        %dma_start3A_302 = tpu.memref_slice %arg8[%dma_start3A_300, %dma_start3A_301] : memref<800x64xf32, #tpu.memory_space<vmem>> -> memref<80x64xf32, #tpu.memory_space<vmem>>
        %dma_start3A_303 = arith.constant 560 : i32
        %dma_start3A_304 = tpu.memref_slice %arg6[%dma_start3A_303] : memref<800xi32, #tpu.memory_space<vmem>> -> memref<80xi32, #tpu.memory_space<vmem>>
        %dma_start3A_305 = arith.constant 0 : i32
        %dma_start3A_306 = arith.constant 0 : i32
        %dma_start3A_307 = tpu.memref_slice %arg3[%dma_start3A_305, %dma_start3A_306] : memref<1000000x64xf32, #tpu.memory_space<hbm>> -> memref<1000000x64xf32, #tpu.memory_space<hbm>>
        tpu.enqueue_indirect_dma source(%dma_start3A_307 : memref<1000000x64xf32, #tpu.memory_space<hbm>>) target(%dma_start3A_302 : memref<80x64xf32, #tpu.memory_space<vmem>>) offsets(%dma_start3A_304 : memref<80xi32, #tpu.memory_space<vmem>>) semaphore(%arg11 : memref<!tpu.dma_semaphore, #tpu.memory_space<semaphore_mem>>)
        %dma_start3A_308 = arith.constant 640 : i32
        %dma_start3A_309 = arith.constant 0 : i32
        %dma_start3A_310 = tpu.memref_slice %arg8[%dma_start3A_308, %dma_start3A_309] : memref<800x64xf32, #tpu.memory_space<vmem>> -> memref<80x64xf32, #tpu.memory_space<vmem>>
        %dma_start3A_311 = arith.constant 640 : i32
        %dma_start3A_312 = tpu.memref_slice %arg6[%dma_start3A_311] : memref<800xi32, #tpu.memory_space<vmem>> -> memref<80xi32, #tpu.memory_space<vmem>>
        %dma_start3A_313 = arith.constant 0 : i32
        %dma_start3A_314 = arith.constant 0 : i32
        %dma_start3A_315 = tpu.memref_slice %arg3[%dma_start3A_313, %dma_start3A_314] : memref<1000000x64xf32, #tpu.memory_space<hbm>> -> memref<1000000x64xf32, #tpu.memory_space<hbm>>
        tpu.enqueue_indirect_dma source(%dma_start3A_315 : memref<1000000x64xf32, #tpu.memory_space<hbm>>) target(%dma_start3A_310 : memref<80x64xf32, #tpu.memory_space<vmem>>) offsets(%dma_start3A_312 : memref<80xi32, #tpu.memory_space<vmem>>) semaphore(%arg11 : memref<!tpu.dma_semaphore, #tpu.memory_space<semaphore_mem>>)
        %dma_start3A_316 = arith.constant 720 : i32
        %dma_start3A_317 = arith.constant 0 : i32
        %dma_start3A_318 = tpu.memref_slice %arg8[%dma_start3A_316, %dma_start3A_317] : memref<800x64xf32, #tpu.memory_space<vmem>> -> memref<80x64xf32, #tpu.memory_space<vmem>>
        %dma_start3A_319 = arith.constant 720 : i32
        %dma_start3A_320 = tpu.memref_slice %arg6[%dma_start3A_319] : memref<800xi32, #tpu.memory_space<vmem>> -> memref<80xi32, #tpu.memory_space<vmem>>
        %dma_start3A_321 = arith.constant 0 : i32
        %dma_start3A_322 = arith.constant 0 : i32
        %dma_start3A_323 = tpu.memref_slice %arg3[%dma_start3A_321, %dma_start3A_322] : memref<1000000x64xf32, #tpu.memory_space<hbm>> -> memref<1000000x64xf32, #tpu.memory_space<hbm>>
        tpu.enqueue_indirect_dma source(%dma_start3A_323 : memref<1000000x64xf32, #tpu.memory_space<hbm>>) target(%dma_start3A_318 : memref<80x64xf32, #tpu.memory_space<vmem>>) offsets(%dma_start3A_320 : memref<80xi32, #tpu.memory_space<vmem>>) semaphore(%arg11 : memref<!tpu.dma_semaphore, #tpu.memory_space<semaphore_mem>>)
      } else {
      }
      %dma_wait3A_211 = arith.constant 0 : i32
      %dma_wait3A_212 = arith.constant 0 : i32
      %dma_wait3A_213 = tpu.memref_slice %arg5[%dma_wait3A_211, %dma_wait3A_212] : memref<819200x64xf32, #tpu.memory_space<hbm>> -> memref<800x64xf32, #tpu.memory_space<hbm>>
      %dma_wait3A_214 = arith.constant 0 : i32
      %dma_wait3A_215 = arith.constant 0 : i32
      %dma_wait3A_216 = tpu.memref_slice %arg5[%dma_wait3A_214, %dma_wait3A_215] : memref<819200x64xf32, #tpu.memory_space<hbm>> -> memref<800x64xf32, #tpu.memory_space<hbm>>
      tpu.wait_dma2 semaphore(%arg12 : memref<!tpu.dma_semaphore, #tpu.memory_space<semaphore_mem>>) src(%dma_wait3A_216 : memref<800x64xf32, #tpu.memory_space<hbm>>) dst(%arg9 : memref<800x64xf32, #tpu.memory_space<vmem>>)
      %parallel_loop3A_217 = arith.constant 0 : i32
      %parallel_loop3A_218 = arith.constant 200 : i32
      %parallel_loop3A_219 = arith.constant 1 : i32
      scf.for %parallel_loop3A_231 = %parallel_loop3A_217 to %parallel_loop3A_218 step %parallel_loop3A_219  : i32 {
        %parallel_loop3A_232 = arith.constant 64 : i32
        %parallel_loop3A_233 = arith.muli %parallel_loop3A_231, %parallel_loop3A_232 : i32
        %parallel_loop3A_234 = arith.constant 0 : i32
        %parallel_loop3A_235 = arith.addi %parallel_loop3A_233, %parallel_loop3A_234 : i32
        %parallel_loop3A_236 = arith.index_cast %parallel_loop3A_235 : i32 to index
        %parallel_loop3A_237 = tpu.vector_load %arg10[%parallel_loop3A_236] {strides = array<i32>} : memref<12800xf32, #tpu.memory_space<vmem>>, vector<16xf32>,
        %parallel_loop3A_238 = vector.shape_cast %parallel_loop3A_237 : vector<16xf32> to vector<16xf32>
        %parallel_loop3A_239 = arith.constant 0 : i32
        %parallel_loop3A_240 = arith.addi %parallel_loop3A_239, %parallel_loop3A_231 : i32
        %parallel_loop3A_241 = arith.index_cast %parallel_loop3A_240 : i32 to index
        %parallel_loop3A_242 = arith.constant 0 : index
        %parallel_loop3A_243 = tpu.vector_load %arg9[%parallel_loop3A_241, %parallel_loop3A_242] {strides = array<i32>} : memref<800x64xf32, #tpu.memory_space<vmem>>, vector<1x16xf32>,
        %parallel_loop3A_244 = vector.shape_cast %parallel_loop3A_243 : vector<1x16xf32> to vector<16xf32>
        %parallel_loop3A_245 = vector.shape_cast %parallel_loop3A_238 : vector<16xf32> to vector<1x16xf32>
        tpu.vector_store %arg9[%parallel_loop3A_241, %parallel_loop3A_242], %parallel_loop3A_245 {add = true, strides = array<i32>} : memref<800x64xf32, #tpu.memory_space<vmem>>, vector<1x16xf32>,
        %parallel_loop3A_246 = arith.constant 200 : i32
        %parallel_loop3A_247 = arith.addi %parallel_loop3A_246, %parallel_loop3A_231 : i32
        %parallel_loop3A_248 = arith.index_cast %parallel_loop3A_247 : i32 to index
        %parallel_loop3A_249 = arith.constant 0 : index
        %parallel_loop3A_250 = tpu.vector_load %arg9[%parallel_loop3A_248, %parallel_loop3A_249] {strides = array<i32>} : memref<800x64xf32, #tpu.memory_space<vmem>>, vector<1x16xf32>,
        %parallel_loop3A_251 = vector.shape_cast %parallel_loop3A_250 : vector<1x16xf32> to vector<16xf32>
        %parallel_loop3A_252 = vector.shape_cast %parallel_loop3A_238 : vector<16xf32> to vector<1x16xf32>
        tpu.vector_store %arg9[%parallel_loop3A_248, %parallel_loop3A_249], %parallel_loop3A_252 {add = true, strides = array<i32>} : memref<800x64xf32, #tpu.memory_space<vmem>>, vector<1x16xf32>,
        %parallel_loop3A_253 = arith.constant 400 : i32
        %parallel_loop3A_254 = arith.addi %parallel_loop3A_253, %parallel_loop3A_231 : i32
        %parallel_loop3A_255 = arith.index_cast %parallel_loop3A_254 : i32 to index
        %parallel_loop3A_256 = arith.constant 0 : index
        %parallel_loop3A_257 = tpu.vector_load %arg9[%parallel_loop3A_255, %parallel_loop3A_256] {strides = array<i32>} : memref<800x64xf32, #tpu.memory_space<vmem>>, vector<1x16xf32>,
        %parallel_loop3A_258 = vector.shape_cast %parallel_loop3A_257 : vector<1x16xf32> to vector<16xf32>
        %parallel_loop3A_259 = vector.shape_cast %parallel_loop3A_238 : vector<16xf32> to vector<1x16xf32>
        tpu.vector_store %arg9[%parallel_loop3A_255, %parallel_loop3A_256], %parallel_loop3A_259 {add = true, strides = array<i32>} : memref<800x64xf32, #tpu.memory_space<vmem>>, vector<1x16xf32>,
        %parallel_loop3A_260 = arith.constant 600 : i32
        %parallel_loop3A_261 = arith.addi %parallel_loop3A_260, %parallel_loop3A_231 : i32
        %parallel_loop3A_262 = arith.index_cast %parallel_loop3A_261 : i32 to index
        %parallel_loop3A_263 = arith.constant 0 : index
        %parallel_loop3A_264 = tpu.vector_load %arg9[%parallel_loop3A_262, %parallel_loop3A_263] {strides = array<i32>} : memref<800x64xf32, #tpu.memory_space<vmem>>, vector<1x16xf32>,
        %parallel_loop3A_265 = vector.shape_cast %parallel_loop3A_264 : vector<1x16xf32> to vector<16xf32>
        %parallel_loop3A_266 = vector.shape_cast %parallel_loop3A_238 : vector<16xf32> to vector<1x16xf32>
        tpu.vector_store %arg9[%parallel_loop3A_262, %parallel_loop3A_263], %parallel_loop3A_266 {add = true, strides = array<i32>} : memref<800x64xf32, #tpu.memory_space<vmem>>, vector<1x16xf32>,
        %parallel_loop3A_267 = arith.constant 64 : i32
        %parallel_loop3A_268 = arith.muli %parallel_loop3A_231, %parallel_loop3A_267 : i32
        %parallel_loop3A_269 = arith.constant 16 : i32
        %parallel_loop3A_270 = arith.addi %parallel_loop3A_268, %parallel_loop3A_269 : i32
        %parallel_loop3A_271 = arith.index_cast %parallel_loop3A_270 : i32 to index
        %parallel_loop3A_272 = tpu.vector_load %arg10[%parallel_loop3A_271] {strides = array<i32>} : memref<12800xf32, #tpu.memory_space<vmem>>, vector<16xf32>,
        %parallel_loop3A_273 = vector.shape_cast %parallel_loop3A_272 : vector<16xf32> to vector<16xf32>
        %parallel_loop3A_274 = arith.constant 0 : i32
        %parallel_loop3A_275 = arith.addi %parallel_loop3A_274, %parallel_loop3A_231 : i32
        %parallel_loop3A_276 = arith.index_cast %parallel_loop3A_275 : i32 to index
        %parallel_loop3A_277 = arith.constant 16 : index
        %parallel_loop3A_278 = tpu.vector_load %arg9[%parallel_loop3A_276, %parallel_loop3A_277] {strides = array<i32>} : memref<800x64xf32, #tpu.memory_space<vmem>>, vector<1x16xf32>,
        %parallel_loop3A_279 = vector.shape_cast %parallel_loop3A_278 : vector<1x16xf32> to vector<16xf32>
        %parallel_loop3A_280 = vector.shape_cast %parallel_loop3A_273 : vector<16xf32> to vector<1x16xf32>
        tpu.vector_store %arg9[%parallel_loop3A_276, %parallel_loop3A_277], %parallel_loop3A_280 {add = true, strides = array<i32>} : memref<800x64xf32, #tpu.memory_space<vmem>>, vector<1x16xf32>,
        %parallel_loop3A_281 = arith.constant 200 : i32
        %parallel_loop3A_282 = arith.addi %parallel_loop3A_281, %parallel_loop3A_231 : i32
        %parallel_loop3A_283 = arith.index_cast %parallel_loop3A_282 : i32 to index
        %parallel_loop3A_284 = arith.constant 16 : index
        %parallel_loop3A_285 = tpu.vector_load %arg9[%parallel_loop3A_283, %parallel_loop3A_284] {strides = array<i32>} : memref<800x64xf32, #tpu.memory_space<vmem>>, vector<1x16xf32>,
        %parallel_loop3A_286 = vector.shape_cast %parallel_loop3A_285 : vector<1x16xf32> to vector<16xf32>
        %parallel_loop3A_287 = vector.shape_cast %parallel_loop3A_273 : vector<16xf32> to vector<1x16xf32>
        tpu.vector_store %arg9[%parallel_loop3A_283, %parallel_loop3A_284], %parallel_loop3A_287 {add = true, strides = array<i32>} : memref<800x64xf32, #tpu.memory_space<vmem>>, vector<1x16xf32>,
        %parallel_loop3A_288 = arith.constant 400 : i32
        %parallel_loop3A_289 = arith.addi %parallel_loop3A_288, %parallel_loop3A_231 : i32
        %parallel_loop3A_290 = arith.index_cast %parallel_loop3A_289 : i32 to index
        %parallel_loop3A_291 = arith.constant 16 : index
        %parallel_loop3A_292 = tpu.vector_load %arg9[%parallel_loop3A_290, %parallel_loop3A_291] {strides = array<i32>} : memref<800x64xf32, #tpu.memory_space<vmem>>, vector<1x16xf32>,
        %parallel_loop3A_293 = vector.shape_cast %parallel_loop3A_292 : vector<1x16xf32> to vector<16xf32>
        %parallel_loop3A_294 = vector.shape_cast %parallel_loop3A_273 : vector<16xf32> to vector<1x16xf32>
        tpu.vector_store %arg9[%parallel_loop3A_290, %parallel_loop3A_291], %parallel_loop3A_294 {add = true, strides = array<i32>} : memref<800x64xf32, #tpu.memory_space<vmem>>, vector<1x16xf32>,
        %parallel_loop3A_295 = arith.constant 600 : i32
        %parallel_loop3A_296 = arith.addi %parallel_loop3A_295, %parallel_loop3A_231 : i32
        %parallel_loop3A_297 = arith.index_cast %parallel_loop3A_296 : i32 to index
        %parallel_loop3A_298 = arith.constant 16 : index
        %parallel_loop3A_299 = tpu.vector_load %arg9[%parallel_loop3A_297, %parallel_loop3A_298] {strides = array<i32>} : memref<800x64xf32, #tpu.memory_space<vmem>>, vector<1x16xf32>,
        %parallel_loop3A_300 = vector.shape_cast %parallel_loop3A_299 : vector<1x16xf32> to vector<16xf32>
        %parallel_loop3A_301 = vector.shape_cast %parallel_loop3A_273 : vector<16xf32> to vector<1x16xf32>
        tpu.vector_store %arg9[%parallel_loop3A_297, %parallel_loop3A_298], %parallel_loop3A_301 {add = true, strides = array<i32>} : memref<800x64xf32, #tpu.memory_space<vmem>>, vector<1x16xf32>,
        %parallel_loop3A_302 = arith.constant 64 : i32
        %parallel_loop3A_303 = arith.muli %parallel_loop3A_231, %parallel_loop3A_302 : i32
        %parallel_loop3A_304 = arith.constant 32 : i32
        %parallel_loop3A_305 = arith.addi %parallel_loop3A_303, %parallel_loop3A_304 : i32
        %parallel_loop3A_306 = arith.index_cast %parallel_loop3A_305 : i32 to index
        %parallel_loop3A_307 = tpu.vector_load %arg10[%parallel_loop3A_306] {strides = array<i32>} : memref<12800xf32, #tpu.memory_space<vmem>>, vector<16xf32>,
        %parallel_loop3A_308 = vector.shape_cast %parallel_loop3A_307 : vector<16xf32> to vector<16xf32>
        %parallel_loop3A_309 = arith.constant 0 : i32
        %parallel_loop3A_310 = arith.addi %parallel_loop3A_309, %parallel_loop3A_231 : i32
        %parallel_loop3A_311 = arith.index_cast %parallel_loop3A_310 : i32 to index
        %parallel_loop3A_312 = arith.constant 32 : index
        %parallel_loop3A_313 = tpu.vector_load %arg9[%parallel_loop3A_311, %parallel_loop3A_312] {strides = array<i32>} : memref<800x64xf32, #tpu.memory_space<vmem>>, vector<1x16xf32>,
        %parallel_loop3A_314 = vector.shape_cast %parallel_loop3A_313 : vector<1x16xf32> to vector<16xf32>
        %parallel_loop3A_315 = vector.shape_cast %parallel_loop3A_308 : vector<16xf32> to vector<1x16xf32>
        tpu.vector_store %arg9[%parallel_loop3A_311, %parallel_loop3A_312], %parallel_loop3A_315 {add = true, strides = array<i32>} : memref<800x64xf32, #tpu.memory_space<vmem>>, vector<1x16xf32>,
        %parallel_loop3A_316 = arith.constant 200 : i32
        %parallel_loop3A_317 = arith.addi %parallel_loop3A_316, %parallel_loop3A_231 : i32
        %parallel_loop3A_318 = arith.index_cast %parallel_loop3A_317 : i32 to index
        %parallel_loop3A_319 = arith.constant 32 : index
        %parallel_loop3A_320 = tpu.vector_load %arg9[%parallel_loop3A_318, %parallel_loop3A_319] {strides = array<i32>} : memref<800x64xf32, #tpu.memory_space<vmem>>, vector<1x16xf32>,
        %parallel_loop3A_321 = vector.shape_cast %parallel_loop3A_320 : vector<1x16xf32> to vector<16xf32>
        %parallel_loop3A_322 = vector.shape_cast %parallel_loop3A_308 : vector<16xf32> to vector<1x16xf32>
        tpu.vector_store %arg9[%parallel_loop3A_318, %parallel_loop3A_319], %parallel_loop3A_322 {add = true, strides = array<i32>} : memref<800x64xf32, #tpu.memory_space<vmem>>, vector<1x16xf32>,
        %parallel_loop3A_323 = arith.constant 400 : i32
        %parallel_loop3A_324 = arith.addi %parallel_loop3A_323, %parallel_loop3A_231 : i32
        %parallel_loop3A_325 = arith.index_cast %parallel_loop3A_324 : i32 to index
        %parallel_loop3A_326 = arith.constant 32 : index
        %parallel_loop3A_327 = tpu.vector_load %arg9[%parallel_loop3A_325, %parallel_loop3A_326] {strides = array<i32>} : memref<800x64xf32, #tpu.memory_space<vmem>>, vector<1x16xf32>,
        %parallel_loop3A_328 = vector.shape_cast %parallel_loop3A_327 : vector<1x16xf32> to vector<16xf32>
        %parallel_loop3A_329 = vector.shape_cast %parallel_loop3A_308 : vector<16xf32> to vector<1x16xf32>
        tpu.vector_store %arg9[%parallel_loop3A_325, %parallel_loop3A_326], %parallel_loop3A_329 {add = true, strides = array<i32>} : memref<800x64xf32, #tpu.memory_space<vmem>>, vector<1x16xf32>,
        %parallel_loop3A_330 = arith.constant 600 : i32
        %parallel_loop3A_331 = arith.addi %parallel_loop3A_330, %parallel_loop3A_231 : i32
        %parallel_loop3A_332 = arith.index_cast %parallel_loop3A_331 : i32 to index
        %parallel_loop3A_333 = arith.constant 32 : index
        %parallel_loop3A_334 = tpu.vector_load %arg9[%parallel_loop3A_332, %parallel_loop3A_333] {strides = array<i32>} : memref<800x64xf32, #tpu.memory_space<vmem>>, vector<1x16xf32>,
        %parallel_loop3A_335 = vector.shape_cast %parallel_loop3A_334 : vector<1x16xf32> to vector<16xf32>
        %parallel_loop3A_336 = vector.shape_cast %parallel_loop3A_308 : vector<16xf32> to vector<1x16xf32>
        tpu.vector_store %arg9[%parallel_loop3A_332, %parallel_loop3A_333], %parallel_loop3A_336 {add = true, strides = array<i32>} : memref<800x64xf32, #tpu.memory_space<vmem>>, vector<1x16xf32>,
        %parallel_loop3A_337 = arith.constant 64 : i32
        %parallel_loop3A_338 = arith.muli %parallel_loop3A_231, %parallel_loop3A_337 : i32
        %parallel_loop3A_339 = arith.constant 48 : i32
        %parallel_loop3A_340 = arith.addi %parallel_loop3A_338, %parallel_loop3A_339 : i32
        %parallel_loop3A_341 = arith.index_cast %parallel_loop3A_340 : i32 to index
        %parallel_loop3A_342 = tpu.vector_load %arg10[%parallel_loop3A_341] {strides = array<i32>} : memref<12800xf32, #tpu.memory_space<vmem>>, vector<16xf32>,
        %parallel_loop3A_343 = vector.shape_cast %parallel_loop3A_342 : vector<16xf32> to vector<16xf32>
        %parallel_loop3A_344 = arith.constant 0 : i32
        %parallel_loop3A_345 = arith.addi %parallel_loop3A_344, %parallel_loop3A_231 : i32
        %parallel_loop3A_346 = arith.index_cast %parallel_loop3A_345 : i32 to index
        %parallel_loop3A_347 = arith.constant 48 : index
        %parallel_loop3A_348 = tpu.vector_load %arg9[%parallel_loop3A_346, %parallel_loop3A_347] {strides = array<i32>} : memref<800x64xf32, #tpu.memory_space<vmem>>, vector<1x16xf32>,
        %parallel_loop3A_349 = vector.shape_cast %parallel_loop3A_348 : vector<1x16xf32> to vector<16xf32>
        %parallel_loop3A_350 = vector.shape_cast %parallel_loop3A_343 : vector<16xf32> to vector<1x16xf32>
        tpu.vector_store %arg9[%parallel_loop3A_346, %parallel_loop3A_347], %parallel_loop3A_350 {add = true, strides = array<i32>} : memref<800x64xf32, #tpu.memory_space<vmem>>, vector<1x16xf32>,
        %parallel_loop3A_351 = arith.constant 200 : i32
        %parallel_loop3A_352 = arith.addi %parallel_loop3A_351, %parallel_loop3A_231 : i32
        %parallel_loop3A_353 = arith.index_cast %parallel_loop3A_352 : i32 to index
        %parallel_loop3A_354 = arith.constant 48 : index
        %parallel_loop3A_355 = tpu.vector_load %arg9[%parallel_loop3A_353, %parallel_loop3A_354] {strides = array<i32>} : memref<800x64xf32, #tpu.memory_space<vmem>>, vector<1x16xf32>,
        %parallel_loop3A_356 = vector.shape_cast %parallel_loop3A_355 : vector<1x16xf32> to vector<16xf32>
        %parallel_loop3A_357 = vector.shape_cast %parallel_loop3A_343 : vector<16xf32> to vector<1x16xf32>
        tpu.vector_store %arg9[%parallel_loop3A_353, %parallel_loop3A_354], %parallel_loop3A_357 {add = true, strides = array<i32>} : memref<800x64xf32, #tpu.memory_space<vmem>>, vector<1x16xf32>,
        %parallel_loop3A_358 = arith.constant 400 : i32
        %parallel_loop3A_359 = arith.addi %parallel_loop3A_358, %parallel_loop3A_231 : i32
        %parallel_loop3A_360 = arith.index_cast %parallel_loop3A_359 : i32 to index
        %parallel_loop3A_361 = arith.constant 48 : index
        %parallel_loop3A_362 = tpu.vector_load %arg9[%parallel_loop3A_360, %parallel_loop3A_361] {strides = array<i32>} : memref<800x64xf32, #tpu.memory_space<vmem>>, vector<1x16xf32>,
        %parallel_loop3A_363 = vector.shape_cast %parallel_loop3A_362 : vector<1x16xf32> to vector<16xf32>
        %parallel_loop3A_364 = vector.shape_cast %parallel_loop3A_343 : vector<16xf32> to vector<1x16xf32>
        tpu.vector_store %arg9[%parallel_loop3A_360, %parallel_loop3A_361], %parallel_loop3A_364 {add = true, strides = array<i32>} : memref<800x64xf32, #tpu.memory_space<vmem>>, vector<1x16xf32>,
        %parallel_loop3A_365 = arith.constant 600 : i32
        %parallel_loop3A_366 = arith.addi %parallel_loop3A_365, %parallel_loop3A_231 : i32
        %parallel_loop3A_367 = arith.index_cast %parallel_loop3A_366 : i32 to index
        %parallel_loop3A_368 = arith.constant 48 : index
        %parallel_loop3A_369 = tpu.vector_load %arg9[%parallel_loop3A_367, %parallel_loop3A_368] {strides = array<i32>} : memref<800x64xf32, #tpu.memory_space<vmem>>, vector<1x16xf32>,
        %parallel_loop3A_370 = vector.shape_cast %parallel_loop3A_369 : vector<1x16xf32> to vector<16xf32>
        %parallel_loop3A_371 = vector.shape_cast %parallel_loop3A_343 : vector<16xf32> to vector<1x16xf32>
        tpu.vector_store %arg9[%parallel_loop3A_367, %parallel_loop3A_368], %parallel_loop3A_371 {add = true, strides = array<i32>} : memref<800x64xf32, #tpu.memory_space<vmem>>, vector<1x16xf32>,
      } {sc.loop_unroll_factor = 4 : i64, sc.parallel_access}
      %mul3A_220 = arith.constant 2 : i32
      %mul3A_221 = arith.muli %mul3A_220, %scan3A_100 : i32
      %add3A_222 = arith.constant 1 : i32
      %add3A_223 = arith.addi %mul3A_221, %add3A_222 : i32
      %mul3A_224 = arith.constant 800 : i32
      %mul3A_225 = arith.muli %add3A_223, %mul3A_224 : i32
      %add3A_226 = arith.addi %mul3A_2, %mul3A_225 : i32
      %dma_start3A_227 = arith.constant 0 : i32
      %dma_start3A_228 = tpu.memref_slice %arg5[%add3A_226, %dma_start3A_227] : memref<819200x64xf32, #tpu.memory_space<hbm>> -> memref<800x64xf32, #tpu.memory_space<hbm>>
      %dma_start3A_229 = arith.constant 0 : i32
      %dma_start3A_230 = tpu.memref_slice %arg5[%add3A_226, %dma_start3A_229] : memref<819200x64xf32, #tpu.memory_space<hbm>> -> memref<800x64xf32, #tpu.memory_space<hbm>>
      tpu.enqueue_dma source(%arg9 : memref<800x64xf32, #tpu.memory_space<vmem>>) target(%dma_start3A_230 : memref<800x64xf32, #tpu.memory_space<hbm>>) target_semaphore(%arg14 : memref<!tpu.dma_semaphore, #tpu.memory_space<semaphore_mem>>)
    }
    %scan3A_88 = arith.constant 16 : i32
    %dma_wait3A = arith.constant 0 : i32
    %dma_wait3A_89 = arith.constant 0 : i32
    %dma_wait3A_90 = tpu.memref_slice %arg5[%dma_wait3A, %dma_wait3A_89] : memref<819200x64xf32, #tpu.memory_space<hbm>> -> memref<800x64xf32, #tpu.memory_space<hbm>>
    %dma_wait3A_91 = arith.constant 0 : i32
    %dma_wait3A_92 = arith.constant 0 : i32
    %dma_wait3A_93 = tpu.memref_slice %arg5[%dma_wait3A_91, %dma_wait3A_92] : memref<819200x64xf32, #tpu.memory_space<hbm>> -> memref<800x64xf32, #tpu.memory_space<hbm>>
    tpu.wait_dma2 semaphore(%arg13 : memref<!tpu.dma_semaphore, #tpu.memory_space<semaphore_mem>>) src(%arg8 : memref<800x64xf32, #tpu.memory_space<vmem>>) dst(%dma_wait3A_93 : memref<800x64xf32, #tpu.memory_space<hbm>>)
    %dma_wait3A_94 = arith.constant 0 : i32
    %dma_wait3A_95 = arith.constant 0 : i32
    %dma_wait3A_96 = tpu.memref_slice %arg5[%dma_wait3A_94, %dma_wait3A_95] : memref<819200x64xf32, #tpu.memory_space<hbm>> -> memref<800x64xf32, #tpu.memory_space<hbm>>
    %dma_wait3A_97 = arith.constant 0 : i32
    %dma_wait3A_98 = arith.constant 0 : i32
    %dma_wait3A_99 = tpu.memref_slice %arg5[%dma_wait3A_97, %dma_wait3A_98] : memref<819200x64xf32, #tpu.memory_space<hbm>> -> memref<800x64xf32, #tpu.memory_space<hbm>>
    tpu.wait_dma2 semaphore(%arg14 : memref<!tpu.dma_semaphore, #tpu.memory_space<semaphore_mem>>) src(%arg9 : memref<800x64xf32, #tpu.memory_space<vmem>>) dst(%dma_wait3A_99 : memref<800x64xf32, #tpu.memory_space<hbm>>)
    return
  }
}

</mosaic_0001>

<sc_bundles>
// kernel: _emb.3.cloned.1.call-start
scs
__scs_entry_jumppad:
0x0: {  	(pc) =	sbr.rel $0x88, $3  }
0x1: {  	(tag) =	ssettag $0x0;
	lr =	simm.s32 $0x1  }
0x2: {  	[smem:$0x3F9E] =	sst lr;
	_ =	strace $0xD0000000  }
0x3: {  	_ = 	snop  }
0x4: {  	_ = 	snop  }
0x5: {  	_ = 	snop  }
0x6: {  	_ = 	snop  }
0x7: {  	_ = 	snop  }
__scs_overlays_trampoline_lowered:
0x8: {  	[smem:$0x3FAD] =	sst s0  }
0x9: {  	[smem:$0x3FAE] =	sst s1  }
0xa: {  	[smem:$0x3FAF] =	sst s2  }
0xb: {  	[smem:$0x3FB0] =	sst s3  }
0xc: {  	[smem:$0x3FB1] =	sst s4  }
0xd: {  	[smem:$0x3FB2] =	sst s5  }
0xe: {  	[smem:$0x3FB3] =	sst s6  }
0xf: {  	[smem:$0x3FB4] =	sst s7  }
0x10: {  	[smem:$0x3FB5] =	sst s8  }
0x11: {  	[smem:$0x3FB6] =	sst s9;
	s0 =	simm.s32 @!p0 $0x0  }
0x12: {  	s1 =	sld [smem:$0x3F9C];
	s0 =	simm.s32 @p0 $0x1  }
0x13: {  	[smem:$0x3FB7] =	sst s0;
	s0 =	simm.s32 @!p1 $0x0  }
0x14: {  	s2 =	sld [smem:$0x3F9B];
	s0 =	simm.s32 @p1 $0x1  }
0x15: {  	[smem:$0x3FB8] =	sst s0;
	s0 =	simm.s32 @!p2 $0x0  }
0x16: {  	s3 =	sld [smem:$0x3FDB];
	s0 =	simm.s32 @p2 $0x1  }
0x17: {  	s4 =	simm.s32 $0x1BF5;
	[smem:$0x3FBA] =	sst s0  }
0x18: {  	s0 =	sld [smem:$0x3F9D];
	_ =	swait.ge [sflag:s4], $0x0  }
0x19: {  	s7 =	sld [smem:$0x3F9E]  }
0x1a: {  	s8 =	sadd.s32 $0xFFFFE003, lr  }
0x1b: {  	s9 =	sadd.s32 $0xFFFFFEF7, lr;
	s5 =	simm.s32 $0xFFFFFFFF;
	p2 =	slt.u32 s8, $0xFFFFF086  }
0x1c: {  	p1 =	slt.u32 s9, $0xF7A;
	s5 =	simm.s32 @!p2 $0x0  }
0x1d: {  	s5 =	simm.s32 @p1 $0x1;
	p0 =	seq.s32 s7, s2  }
0x1e: {  	s7 =	smul.u32 @!p0 $0xF7A, s2;
	p2 =	seq.s32 @!p0 s5, $0x0  }
0x1f: {  	s9 =	smul.u32 $0xF7A, s1;
	s8 =	simm.s32 @!p0 $0x1BF5;
	p2 =	por !p2, p0  }
0x20: {  	[sflag:s8] =	ssyncset.s32 @!p0 $0xFFFFF086;
	s6 =	sadd.s32 @!p0 s3, s7;
	s7 =	simm.s32 @!p0 $0x108  }
0x21: {  	s3 =	sadd.s32 s3, s9;
	s6 =	sadd.s32 @!p0 $0x88, s6;
	s7 =	simm.s32 @p2 $0x1082  }
0x22: {  	[simem:s7], [sflag:s8] =	dma.local @!p0 [hbm:s6], $0xF7A  }
0x23: {  	s9 =	sor.u32 $0xD0000000, s2;
	s6 =	simm.s32 $0x108;
	_ =	swait.ge @!p0 [sflag:s8], $0x0  }
0x24: {  	s3 =	sadd.s32 $0x88, s3;
	s6 =	simm.s32 @!p1 $0x1082;
	[sflag:s4] =	ssyncset.s32 $0xFFFFF086  }
0x25: {  	[simem:s6], [sflag:s4] =	dma.local [hbm:s3], $0xF7A  }
0x26: {  	[smem:$0x3F9E] =	sst s1;
	(tag) =	ssettag s2;
	_ =	strace s9  }
0x27: {  	s1 =	sld [smem:$0x3FAE]  }
0x28: {  	s2 =	sld [smem:$0x3FAF]  }
0x29: {  	s4 =	sld [smem:$0x3FB1]  }
0x2a: {  	p0 =	seq.s32 s5, $0x0;
	s5 =	sld [smem:$0x3FB2]  }
0x2b: {  	s6 =	sld [smem:$0x3FB3]  }
0x2c: {  	s7 =	sld [smem:$0x3FB4]  }
0x2d: {  	s3 =	simm.s32 $0x108;
	s8 =	sld [smem:$0x3FB5]  }
0x2e: {  	s3 =	simm.s32 @!p0 $0x1082;
	s9 =	sld [smem:$0x3FB6]  }
0x2f: {  	lr =	sadd.s32 s0, s3;
	s0 =	sld [smem:$0x3FAD]  }
0x30: {  	s3 =	sld [smem:$0x3FB0]  }
0x31: {  	[smem:$0x3FB9] =	sst s10  }
0x32: {  	s10 =	sld [smem:$0x3FB7];
	_ =	sdelay $0x3  }
0x33: {  	p0 =	seq.s32 s10, $0x1;
	s10 =	sld [smem:$0x3FB9];
	_ =	sdelay $0x3  }
0x34: {  	[smem:$0x3FB9] =	sst s10  }
0x35: {  	s10 =	sld [smem:$0x3FB8];
	_ =	sdelay $0x3  }
0x36: {  	p1 =	seq.s32 s10, $0x1;
	s10 =	sld [smem:$0x3FB9];
	_ =	sdelay $0x3  }
0x37: {  	[smem:$0x3FB9] =	sst s10  }
0x38: {  	s10 =	sld [smem:$0x3FBA]  }
0x39: {  	_ = 	snop;
	(pc) =	sbr.ind lr, $3  }
0x3a: {  	_ = 	snop  }
0x3b: {  	_ = 	snop  }
0x3c: {  	p2 =	seq.s32 s10, $0x1;
	s10 =	sld [smem:$0x3FB9]  }
0x3d: {  	_ =	shalt  }
0x3e: {  	_ =	shalt  }
0x3f: {  	_ =	shalt  }
0x40: {  	_ =	shalt  }
0x41: {  	_ =	shalt  }
0x42: {  	_ =	shalt  }
0x43: {  	_ =	shalt  }
0x44: {  	_ =	shalt  }
0x45: {  	_ =	shalt  }
0x46: {  	_ =	shalt  }
0x47: {  	_ =	shalt  }
0x48: {  	_ =	shalt  }
0x49: {  	_ =	shalt  }
0x4a: {  	_ =	shalt  }
0x4b: {  	_ =	shalt  }
0x4c: {  	_ =	shalt  }
0x4d: {  	_ =	shalt  }
0x4e: {  	_ =	shalt  }
0x4f: {  	_ =	shalt  }
0x50: {  	_ =	shalt  }
0x51: {  	_ =	shalt  }
0x52: {  	_ =	shalt  }
0x53: {  	_ =	shalt  }
0x54: {  	_ =	shalt  }
0x55: {  	_ =	shalt  }
0x56: {  	_ =	shalt  }
0x57: {  	_ =	shalt  }
0x58: {  	_ =	shalt  }
0x59: {  	_ =	shalt  }
0x5a: {  	_ =	shalt  }
0x5b: {  	_ =	shalt  }
0x5c: {  	_ =	shalt  }
0x5d: {  	_ =	shalt  }
0x5e: {  	_ =	shalt  }
0x5f: {  	_ =	shalt  }
0x60: {  	_ =	shalt  }
0x61: {  	_ =	shalt  }
0x62: {  	_ =	shalt  }
0x63: {  	_ =	shalt  }
0x64: {  	_ =	shalt  }
0x65: {  	_ =	shalt  }
0x66: {  	_ =	shalt  }
0x67: {  	_ =	shalt  }
0x68: {  	_ =	shalt  }
0x69: {  	_ =	shalt  }
0x6a: {  	_ =	shalt  }
0x6b: {  	_ =	shalt  }
0x6c: {  	_ =	shalt  }
0x6d: {  	_ =	shalt  }
0x6e: {  	_ =	shalt  }
0x6f: {  	_ =	shalt  }
0x70: {  	_ =	shalt  }
0x71: {  	_ =	shalt  }
0x72: {  	_ =	shalt  }
0x73: {  	_ =	shalt  }
0x74: {  	_ =	shalt  }
0x75: {  	_ =	shalt  }
0x76: {  	_ =	shalt  }
0x77: {  	_ =	shalt  }
0x78: {  	_ =	shalt  }
0x79: {  	_ =	shalt  }
0x7a: {  	_ =	shalt  }
0x7b: {  	_ =	shalt  }
0x7c: {  	_ =	shalt  }
0x7d: {  	_ =	shalt  }
0x7e: {  	_ =	shalt  }
0x7f: {  	_ =	shalt  }
0x80: {  	_ =	shalt  }
0x81: {  	_ =	shalt  }
0x82: {  	_ =	shalt  }
0x83: {  	_ =	shalt  }
0x84: {  	_ =	shalt  }
0x85: {  	_ =	shalt  }
0x86: {  	_ =	shalt  }
0x87: {  	_ =	shalt  }
.Lfunc_end0:
.L_simem_size_0:
called_computation.1_lowered:
.L_overlay_start_0:
0x88: {  	s2 =	sld [smem:$0x3FD9]  }
0x89: {  	s3 =	sld [smem:$0x3FFE];
	_ =	sdelay $0x1  }
0x8a: {  	s1 =	srdreg.scid  }
0x8b: {  	s0 =	sand.u32 $0x1, s1  }
0x8c: {  	s17 =	sshll.u32 s0, $0xA;
	s2 =	sadd.s32 s3, s2  }
0x8d: {  	s2 =	sadd.s32 s2, s17  }
0x8e: {  	[smem:$0x3FC5] =	sst s2  }
0x8f: {  	_ = 	snop  }
0x90: {  	s2 =	sld [smem:$0x3FC9]  }
0x91: {  	s18 =	sld [smem:$0x3FC7]  }
0x92: {  	s4 =	sld [smem:$0x3FD0];
	(tm) =	ssettm $0x1  }
0x93: {  	s5 =	sld [smem:$0x3FFB];
	_ =	sdelay $0x3  }
0x94: {  	_ =	strace s5  }
0x95: {  	s5 =	sld [smem:$0x3FFC];
	_ =	sdelay $0x3  }
0x96: {  	_ =	strace s5  }
0x97: {  	s5 =	sld [smem:$0x3FFD];
	_ =	sdelay $0x3  }
0x98: {  	_ =	strace s5  }
0x99: {  	_ =	strace $0x8FFFFFFF  }
0x9a: {  	s19 =	sld [smem:$0x3FDB];
	_ =	sdelay $0x1  }
0x9b: {  	s6 =	simm.s32 $_scs_section_size  }
0x9c: {  	s7 =	simm.s32 $_size__tile_overlayer_lowered;
	s8 =	simm.s32 $_tile_overlayer_lowered  }
0x9d: {  	s22 =	simm.s32 $0x1BFF;
	s21 =	sshll.u32 s8, $0x1;
	s5 =	sadd.s32 s6, s19  }
0x9e: {  	s9 =	simm.s32 $0x0;
	s20 =	sshll.u32 s7, $0x1;
	s7 =	sadd.s32 s21, s5  }
0x9f: {  	[timem:s9], [sflag:s22] =	dma.local [hbm:s7], s20  }
0xa0: {  	_ =	swait.ge [sflag:s22], s20  }
0xa1: {  	s6 =	ssub.s32 $0x0, s20;
	[sflag:s22] =	ssyncset.done $0x0  }
0xa2: {  	[sflag:s22] =	ssyncadd.s32 s6;
	_ =	sdelay $0x1  }
0xa3: {  	s23 =	simm.s32 $0x1B8B  }
0xa4: {  	_ =	swait.ge [sflag:s23], $0x1  }
0xa5: {  	[sflag:s23] =	ssyncset.done $0x0  }
0xa6: {  	s25 =	simm.s32 $0x1B8E;
	s24 =	sld [smem:$0x3FFE];
	[sflag:s23] =	ssyncadd.s32 $0xFFFFFFFF  }
0xa7: {  	s26 =	simm.s32 $execute0_lowered;
	[smem:$0x3FD2] =	sst s25  }
0xa8: {  	s7 =	sshll.u32 s26, $0x1;
	_ =	strace $0x80000046;
	[dreg:$0x1] =	wrdreg $0xFFFFFFFF  }
0xa9: {  	s28 =	simm.s32 $_size_execute0_lowered;
	s5 =	sadd.s32 s5, s7;
	[dreg:$0x0] =	wrdreg $0x0  }
0xaa: {  	s7 =	sshll.u32 s28, $0x1;
	[dreg:$0x2] =	wrdreg s5  }
0xab: {  	[dreg:$0x3] =	wrdreg s7  }
0xac: {  	[dreg:$0x4] =	wrdreg $0xC0  }
0xad: {  	_ =	task [dreg:s9], $0x5FFFF  }
0xae: {  	[dreg:$0x1] =	wrdreg $0xFFFFFFFF  }
0xaf: {  	[dreg:$0x0] =	wrdreg $0x60  }
0xb0: {  	[dreg:$0x2] =	wrdreg s2  }
0xb1: {  	[dreg:$0x3] =	wrdreg s24  }
0xb2: {  	[dreg:$0x4] =	wrdreg s18  }
0xb3: {  	[dreg:$0x5] =	wrdreg s4  }
0xb4: {  	[dreg:$0x6] =	wrdreg $0x9  }
0xb5: {  	_ =	task.clear_ibuf [dreg:s9], $0x7FFFF;
	_ =	strace $0x90000046  }
0xb6: {  	s29 =	simm.s32 $0x9;
	_ =	strace $0x80000048  }
0xb7: {  	_ =	swait.ge [sflag:s29], $0x1  }
0xb8: {  	[sflag:s29] =	ssyncadd.s32 $0xFFFFFFFF  }
0xb9: {  	_ =	strace $0x90000048  }
0xba: {  	_ =	sfence  }
0xbb: {  	s30 =	sld [smem:$0x0];
	_ =	sdelay $0x2  }
0xbc: {  	s31 =	sshll.u32 s1, $0xD;
	s1 =	sshrl.u32 s1, $0x2  }
0xbd: {  	s3 =	sand.u32 $0x4000, s31;
	s1 =	sadd.s32 s1, s30  }
0xbe: {  	s0 =	sor.u32 s3, s0;
	s1 =	sshll.u32 s1, $0x11  }
0xbf: {  	s0 =	sor.u32 s1, s0  }
0xc0: {  	s0 =	sadd.s32 $0x8F2B, s0  }
0xc1: {  	[sflag:s0] =	ssyncadd.remote.s32 $0x1  }
0xc2: {  	_ =	sfence.sel $0xFFFF  }
0xc3: {  	[dreg:$0x0] =	wrdreg $0xFFFFFFFF;
	(pc) =	sbr.abs _section_cstart, $3  }
0xc4: {  	[dreg:$0x1] =	wrdreg $0xFFFFFFFF  }
0xc5: {  	_ =	task.clear_ibuf [dreg:s9], $0x2FFFF;
	_ =	strace $0x9FFFFFFF  }
0xc6: {  	(tm) =	ssettm $0x7FFFFFFF  }
0xc7: {  	_ =	shalt  }
tec
execute0_lowered:
.L_overlay_start_1:
0x0: {  	(tag) =	ssettag $0x1  }
0x1: {  	s1 =	rddreg [dreg:$0x0]  }
0x2: {  	s0 =	rddreg [dreg:$0x1];
	s2 =	srdreg.scid  }
0x3: {  	s3 =	stileid.u32;
	s4 =	rddreg [dreg:$0x3];
	s5 =	simm.s32 $0x0  }
0x4: {  	s13 =	simm.s32 $0x5;
	s14 =	simm.s32 $0x50;
	s12 =	simm.s32 $0xCE40  }
0x5: {  	s22 =	simm.s32 $0x460;
	s23 =	simm.s32 $0x11E40;
	s24 =	simm.s32 $0x4B0  }
0x6: {  	s28 =	simm.s32 $0x14640;
	s29 =	simm.s32 $0x550;
	s30 =	simm.s32 $0x15A40  }
0x7: {  	s31 =	simm.s32 $0x5A0;
	s8 =	simm.s32 $0x18240;
	s11 =	simm.s32 $0x1  }
0x8: {  	s16 =	simm.s32 $0x2;
	s2 =	sand.u32 $0x1, s2;
	s3 =	sshll.u32 s3, $0x1  }
0x9: {  	s18 =	simm.s32 $0x0;
	s3 =	sor.u32 s2, s3;
	s2 =	ssub.s32 $0x2, s2  }
0xa: {  	[smem:$0x7FF] =	sst s5;
	s6 =	smul.u32 $0x6400, s3;
	s25 =	sshrl.u32 s2, $0x1  }
0xb: {  	s7 =	sadd.s32 $0xF42C00, s0;
	_ =	strace $0x80000047;
	s0 =	ssub.s32 s2, s25  }
0xc: {  	s25 =	simm.s32 $0x13240;
	s2 =	simm.s32 $0x16E40;
	s3 =	sshrl.u32 s6, $0x3  }
0xd: {  	s9 =	sor.u32 $0x320, s6;
	s10 =	sadd.s32 $0x640, s6;
	s0 =	smax.u32 s0, $0x1  }
0xe: {  	s26 =	sadd.s32 s1, s3;
	[dreg:$0x6] =	wrdreg s0;
	s3 =	simm.s32 $0x320  }
0xf: {  	s0 =	simm.s32 $0x5F0;
	[dreg:$0x5] =	wrdreg s26;
	s26 =	simm.s32 $0x500  }
.LBB2_1:
0x10: {  	[dreg:$0x7] =	wrdreg s18  }
0x11: {  	s15 =	rddreg [dreg:$0x2];
	s17 =	simm.s32 $0x19640  }
0x12: {  	[tilespmem:s17], [sflag:$0x5] =	stream.linear.gather [hbm4b:s15+s5], $0x3200, $0x38;
	[tilespmem:$0x1C840] =	vst v63  }
0x13: {  	_ =	swait.ge [sflag:s13], $0x3200  }
0x14: {  	[sflag:s13] =	ssyncset.done $0x0  }
0x15: {  	s20 =	rddreg [dreg:$0x5];
	[sflag:s13] =	ssyncadd.s32 $0xFFFFCE00  }
0x16: {  	[tilespmem:s5], [sflag:$0x5] =	stream.linear.gather [hbm4b:s20+s5], $0x320, $0x38;
	[tilespmem:$0x1C840] =	vst v63  }
0x17: {  	_ =	swait.ge [sflag:s13], $0x320  }
0x18: {  	[sflag:s13] =	ssyncset.done $0x0  }
0x19: {  	s21 =	simm.s32 $0x640;
	[sflag:s13] =	ssyncadd.s32 $0xFFFFFCE0  }
0x1a: {  	[tilespmem:s21], [sflag:$0x1] =	stream.indirect.gather [hbm4b:s7+s14], $0x40, s5, s14, $0xb8;
	[tilespmem:$0x1C840] =	vst v63  }
0x1b: {  	s17 =	simm.s32 $0x1A40  }
0x1c: {  	[tilespmem:s17], [sflag:$0x1] =	stream.indirect.gather [hbm4b:s7+s14], $0x40, s14, s14, $0xb8;
	[tilespmem:$0x1C840] =	vst v63  }
0x1d: {  	s18 =	simm.s32 $0xA0;
	s19 =	simm.s32 $0x2E40  }
0x1e: {  	[tilespmem:s19], [sflag:$0x1] =	stream.indirect.gather [hbm4b:s7+s14], $0x40, s18, s14, $0xb8;
	[tilespmem:$0x1C840] =	vst v63  }
0x1f: {  	s20 =	simm.s32 $0xF0;
	s21 =	simm.s32 $0x4240  }
0x20: {  	[tilespmem:s21], [sflag:$0x1] =	stream.indirect.gather [hbm4b:s7+s14], $0x40, s20, s14, $0xb8;
	[tilespmem:$0x1C840] =	vst v63  }
0x21: {  	s18 =	simm.s32 $0x140;
	s19 =	simm.s32 $0x5640  }
0x22: {  	[tilespmem:s19], [sflag:$0x1] =	stream.indirect.gather [hbm4b:s7+s14], $0x40, s18, s14, $0xb8;
	[tilespmem:$0x1C840] =	vst v63  }
0x23: {  	s20 =	simm.s32 $0x190;
	s21 =	simm.s32 $0x6A40  }
0x24: {  	[tilespmem:s21], [sflag:$0x1] =	stream.indirect.gather [hbm4b:s7+s14], $0x40, s20, s14, $0xb8;
	[tilespmem:$0x1C840] =	vst v63  }
0x25: {  	s18 =	simm.s32 $0x1E0;
	s19 =	simm.s32 $0x7E40  }
0x26: {  	[tilespmem:s19], [sflag:$0x1] =	stream.indirect.gather [hbm4b:s7+s14], $0x40, s18, s14, $0xb8;
	[tilespmem:$0x1C840] =	vst v63  }
0x27: {  	s20 =	simm.s32 $0x230;
	s21 =	simm.s32 $0x9240  }
0x28: {  	[tilespmem:s21], [sflag:$0x1] =	stream.indirect.gather [hbm4b:s7+s14], $0x40, s20, s14, $0xb8;
	[tilespmem:$0x1C840] =	vst v63  }
0x29: {  	s18 =	simm.s32 $0x280;
	s19 =	simm.s32 $0xA640  }
0x2a: {  	[tilespmem:s19], [sflag:$0x1] =	stream.indirect.gather [hbm4b:s7+s14], $0x40, s18, s14, $0xb8;
	[tilespmem:$0x1C840] =	vst v63  }
0x2b: {  	s15 =	simm.s32 $0x0;
	s20 =	simm.s32 $0x2D0;
	s21 =	simm.s32 $0xBA40  }
0x2c: {  	[tilespmem:s21], [sflag:$0x1] =	stream.indirect.gather [hbm4b:s7+s14], $0x40, s20, s14, $0xb8;
	[tilespmem:$0x1C840] =	vst v63  }
.LBB2_2:
0x2d: {  	p0 =	seq.s32 s15, $0x0;
	s18 =	smul.u32 $0x640, s15  }
0x2e: {  	s19 =	simm.s32 @!p0 $0x4  }
0x2f: {  	_ =	swait.ge @!p0 [sflag:s19], $0xC800;
	s17 =	sadd.s32 s18, s9  }
0x30: {  	[sflag:s19] =	ssyncset.done @!p0 $0x0;
	s20 =	sshrl.u32 s17, $0x3  }
0x31: {  	s21 =	simm.s32 $0x0;
	[sflag:s19] =	ssyncadd.s32 @!p0 $0xFFFF3800;
	s20 =	sadd.s32 s1, s20  }
0x32: {  	[tilespmem:s3], [sflag:$0x5] =	stream.linear.gather [hbm4b:s20+s21], $0x320, $0x38;
	[tilespmem:$0x1C840] =	vst v63  }
0x33: {  	_ =	swait.ge [sflag:s13], $0x320  }
0x34: {  	[sflag:s13] =	ssyncset.done $0x0  }
0x35: {  	[sflag:s13] =	ssyncadd.s32 $0xFFFFFCE0  }
0x36: {  	[tilespmem:s12], [sflag:$0x2] =	stream.indirect.gather [hbm4b:s7+s14], $0x40, s3, s14, $0xb8;
	[tilespmem:$0x1C840] =	vst v63  }
0x37: {  	s20 =	simm.s32 $0x370;
	s21 =	simm.s32 $0xE240  }
0x38: {  	[tilespmem:s21], [sflag:$0x2] =	stream.indirect.gather [hbm4b:s7+s14], $0x40, s20, s14, $0xb8;
	[tilespmem:$0x1C840] =	vst v63  }
0x39: {  	s20 =	simm.s32 $0x3C0;
	s21 =	simm.s32 $0xF640  }
0x3a: {  	[tilespmem:s21], [sflag:$0x2] =	stream.indirect.gather [hbm4b:s7+s14], $0x40, s20, s14, $0xb8;
	[tilespmem:$0x1C840] =	vst v63  }
0x3b: {  	s20 =	simm.s32 $0x410;
	s21 =	simm.s32 $0x10A40  }
0x3c: {  	[tilespmem:s21], [sflag:$0x2] =	stream.indirect.gather [hbm4b:s7+s14], $0x40, s20, s14, $0xb8;
	[tilespmem:$0x1C840] =	vst v63  }
0x3d: {  	_ = 	snop  }
0x3e: {  	[tilespmem:s23], [sflag:$0x2] =	stream.indirect.gather [hbm4b:s7+s14], $0x40, s22, s14, $0xb8;
	[tilespmem:$0x1C840] =	vst v63  }
0x3f: {  	_ = 	snop  }
0x40: {  	[tilespmem:s25], [sflag:$0x2] =	stream.indirect.gather [hbm4b:s7+s14], $0x40, s24, s14, $0xb8;
	[tilespmem:$0x1C840] =	vst v63  }
0x41: {  	_ = 	snop  }
0x42: {  	[tilespmem:s28], [sflag:$0x2] =	stream.indirect.gather [hbm4b:s7+s14], $0x40, s26, s14, $0xb8;
	[tilespmem:$0x1C840] =	vst v63  }
0x43: {  	_ = 	snop  }
0x44: {  	[tilespmem:s30], [sflag:$0x2] =	stream.indirect.gather [hbm4b:s7+s14], $0x40, s29, s14, $0xb8;
	[tilespmem:$0x1C840] =	vst v63  }
0x45: {  	_ = 	snop  }
0x46: {  	[tilespmem:s2], [sflag:$0x2] =	stream.indirect.gather [hbm4b:s7+s14], $0x40, s31, s14, $0xb8;
	[tilespmem:$0x1C840] =	vst v63  }
0x47: {  	_ = 	snop  }
0x48: {  	[tilespmem:s8], [sflag:$0x2] =	stream.indirect.gather [hbm4b:s7+s14], $0x40, s0, s14, $0xb8;
	[tilespmem:$0x1C840] =	vst v63  }
0x49: {  	_ =	swait.ge [sflag:s11], $0xC800  }
0x4a: {  	[sflag:s11] =	ssyncset.done $0x0  }
0x4b: {  	s19 =	simm.s32 $0x0;
	[sflag:s11] =	ssyncadd.s32 $0xFFFF3800  }
0x4c: {  	v0 =	vld [tilespmem:s19+$0x19730]  }
0x4d: {  	v1 =	vld [tilespmem:s19+$0x19640]  }
0x4e: {  	v2 =	vld [tilespmem:s19+$0x19650]  }
0x4f: {  	v3 =	vld [tilespmem:s19+$0x19660]  }
0x50: {  	v4 =	vld [tilespmem:s19+$0x19670]  }
0x51: {  	v5 =	vld [tilespmem:s19+$0x19680]  }
0x52: {  	v6 =	vld [tilespmem:s19+$0x19690]  }
0x53: {  	v7 =	vld [tilespmem:s19+$0x196A0]  }
0x54: {  	v8 =	vld [tilespmem:s19+$0x196B0]  }
0x55: {  	v9 =	vld [tilespmem:s19+$0x196C0]  }
0x56: {  	v10 =	vld [tilespmem:s19+$0x196D0]  }
0x57: {  	v11 =	vld [tilespmem:s19+$0x196E0]  }
0x58: {  	v12 =	vld [tilespmem:s19+$0x196F0]  }
0x59: {  	v13 =	vld [tilespmem:s19+$0x19700]  }
0x5a: {  	v14 =	vld [tilespmem:s19+$0x19710]  }
0x5b: {  	v15 =	vld [tilespmem:s19+$0x19720]  }
0x5c: {  	[tilespmem:s19+$0x9D30] =	vst.add.f32.msk $0xffff, v0  }
0x5d: {  	[tilespmem:s19+$0x640] =	vst.add.f32.msk $0xffff, v1  }
0x5e: {  	[tilespmem:s19+$0x3840] =	vst.add.f32.msk $0xffff, v1  }
0x5f: {  	[tilespmem:s19+$0x6A40] =	vst.add.f32.msk $0xffff, v1  }
0x60: {  	[tilespmem:s19+$0x9C40] =	vst.add.f32.msk $0xffff, v1  }
0x61: {  	[tilespmem:s19+$0x650] =	vst.add.f32.msk $0xffff, v2  }
0x62: {  	[tilespmem:s19+$0x3850] =	vst.add.f32.msk $0xffff, v2  }
0x63: {  	[tilespmem:s19+$0x6A50] =	vst.add.f32.msk $0xffff, v2  }
0x64: {  	[tilespmem:s19+$0x9C50] =	vst.add.f32.msk $0xffff, v2  }
0x65: {  	[tilespmem:s19+$0x660] =	vst.add.f32.msk $0xffff, v3  }
0x66: {  	[tilespmem:s19+$0x3860] =	vst.add.f32.msk $0xffff, v3  }
0x67: {  	[tilespmem:s19+$0x6A60] =	vst.add.f32.msk $0xffff, v3  }
0x68: {  	[tilespmem:s19+$0x9C60] =	vst.add.f32.msk $0xffff, v3  }
0x69: {  	[tilespmem:s19+$0x670] =	vst.add.f32.msk $0xffff, v4  }
0x6a: {  	[tilespmem:s19+$0x3870] =	vst.add.f32.msk $0xffff, v4  }
0x6b: {  	[tilespmem:s19+$0x6A70] =	vst.add.f32.msk $0xffff, v4  }
0x6c: {  	[tilespmem:s19+$0x9C70] =	vst.add.f32.msk $0xffff, v4  }
0x6d: {  	[tilespmem:s19+$0x680] =	vst.add.f32.msk $0xffff, v5  }
0x6e: {  	[tilespmem:s19+$0x3880] =	vst.add.f32.msk $0xffff, v5  }
0x6f: {  	[tilespmem:s19+$0x6A80] =	vst.add.f32.msk $0xffff, v5  }
0x70: {  	[tilespmem:s19+$0x9C80] =	vst.add.f32.msk $0xffff, v5  }
0x71: {  	[tilespmem:s19+$0x690] =	vst.add.f32.msk $0xffff, v6  }
0x72: {  	[tilespmem:s19+$0x3890] =	vst.add.f32.msk $0xffff, v6  }
0x73: {  	[tilespmem:s19+$0x6A90] =	vst.add.f32.msk $0xffff, v6  }
0x74: {  	[tilespmem:s19+$0x9C90] =	vst.add.f32.msk $0xffff, v6  }
0x75: {  	[tilespmem:s19+$0x6A0] =	vst.add.f32.msk $0xffff, v7  }
0x76: {  	[tilespmem:s19+$0x38A0] =	vst.add.f32.msk $0xffff, v7  }
0x77: {  	[tilespmem:s19+$0x6AA0] =	vst.add.f32.msk $0xffff, v7  }
0x78: {  	[tilespmem:s19+$0x9CA0] =	vst.add.f32.msk $0xffff, v7  }
0x79: {  	[tilespmem:s19+$0x6B0] =	vst.add.f32.msk $0xffff, v8  }
0x7a: {  	[tilespmem:s19+$0x38B0] =	vst.add.f32.msk $0xffff, v8  }
0x7b: {  	[tilespmem:s19+$0x6AB0] =	vst.add.f32.msk $0xffff, v8  }
0x7c: {  	[tilespmem:s19+$0x9CB0] =	vst.add.f32.msk $0xffff, v8  }
0x7d: {  	[tilespmem:s19+$0x6C0] =	vst.add.f32.msk $0xffff, v9  }
0x7e: {  	[tilespmem:s19+$0x38C0] =	vst.add.f32.msk $0xffff, v9  }
0x7f: {  	[tilespmem:s19+$0x6AC0] =	vst.add.f32.msk $0xffff, v9  }
0x80: {  	[tilespmem:s19+$0x9CC0] =	vst.add.f32.msk $0xffff, v9  }
0x81: {  	[tilespmem:s19+$0x6D0] =	vst.add.f32.msk $0xffff, v10  }
0x82: {  	[tilespmem:s19+$0x38D0] =	vst.add.f32.msk $0xffff, v10  }
0x83: {  	[tilespmem:s19+$0x6AD0] =	vst.add.f32.msk $0xffff, v10  }
0x84: {  	[tilespmem:s19+$0x9CD0] =	vst.add.f32.msk $0xffff, v10  }
0x85: {  	[tilespmem:s19+$0x6E0] =	vst.add.f32.msk $0xffff, v11  }
0x86: {  	[tilespmem:s19+$0x38E0] =	vst.add.f32.msk $0xffff, v11  }
0x87: {  	[tilespmem:s19+$0x6AE0] =	vst.add.f32.msk $0xffff, v11  }
0x88: {  	[tilespmem:s19+$0x9CE0] =	vst.add.f32.msk $0xffff, v11  }
0x89: {  	[tilespmem:s19+$0x6F0] =	vst.add.f32.msk $0xffff, v12  }
0x8a: {  	[tilespmem:s19+$0x38F0] =	vst.add.f32.msk $0xffff, v12  }
0x8b: {  	[tilespmem:s19+$0x6AF0] =	vst.add.f32.msk $0xffff, v12  }
0x8c: {  	[tilespmem:s19+$0x9CF0] =	vst.add.f32.msk $0xffff, v12  }
0x8d: {  	[tilespmem:s19+$0x700] =	vst.add.f32.msk $0xffff, v13  }
0x8e: {  	[tilespmem:s19+$0x3900] =	vst.add.f32.msk $0xffff, v13  }
0x8f: {  	[tilespmem:s19+$0x6B00] =	vst.add.f32.msk $0xffff, v13  }
0x90: {  	[tilespmem:s19+$0x9D00] =	vst.add.f32.msk $0xffff, v13  }
0x91: {  	[tilespmem:s19+$0x710] =	vst.add.f32.msk $0xffff, v14  }
0x92: {  	[tilespmem:s19+$0x3910] =	vst.add.f32.msk $0xffff, v14  }
0x93: {  	[tilespmem:s19+$0x6B10] =	vst.add.f32.msk $0xffff, v14  }
0x94: {  	[tilespmem:s19+$0x9D10] =	vst.add.f32.msk $0xffff, v14  }
0x95: {  	[tilespmem:s19+$0x720] =	vst.add.f32.msk $0xffff, v15  }
0x96: {  	[tilespmem:s19+$0x3920] =	vst.add.f32.msk $0xffff, v15  }
0x97: {  	[tilespmem:s19+$0x6B20] =	vst.add.f32.msk $0xffff, v15  }
0x98: {  	[tilespmem:s19+$0x9D20] =	vst.add.f32.msk $0xffff, v15  }
0x99: {  	[tilespmem:s19+$0x730] =	vst.add.f32.msk $0xffff, v0  }
0x9a: {  	s20 =	simm.s32 $0x0;
	s21 =	simm.s32 $0x400;
	[tilespmem:s19+$0x3930] =	vst.add.f32.msk $0xffff, v0  }
.LBB2_3:
0x9b: {  	s20 =	sadd.s32 $0x4, s20;
	[tilespmem:s19+$0x6B30] =	vst.add.f32.msk $0xffff, v0;
	s19 =	sshra.s32 s21, $0x2  }
0x9c: {  	v0 =	vld [tilespmem:s19+$0x19730];
	p0 =	slt.u32 s20, $0xC4  }
0x9d: {  	v1 =	vld [tilespmem:s19+$0x19640]  }
0x9e: {  	v2 =	vld [tilespmem:s19+$0x19650]  }
0x9f: {  	v3 =	vld [tilespmem:s19+$0x19660]  }
0xa0: {  	v4 =	vld [tilespmem:s19+$0x19670]  }
0xa1: {  	[tilespmem:s19+$0x9D30] =	vst.add.f32.msk $0xffff, v0  }
0xa2: {  	v5 =	vld [tilespmem:s19+$0x19680]  }
0xa3: {  	v6 =	vld [tilespmem:s19+$0x19690]  }
0xa4: {  	v7 =	vld [tilespmem:s19+$0x196A0]  }
0xa5: {  	v8 =	vld [tilespmem:s19+$0x196B0]  }
0xa6: {  	v9 =	vld [tilespmem:s19+$0x196C0]  }
0xa7: {  	v10 =	vld [tilespmem:s19+$0x196D0]  }
0xa8: {  	v11 =	vld [tilespmem:s19+$0x196E0]  }
0xa9: {  	v12 =	vld [tilespmem:s19+$0x196F0]  }
0xaa: {  	v13 =	vld [tilespmem:s19+$0x19700]  }
0xab: {  	v14 =	vld [tilespmem:s19+$0x19710]  }
0xac: {  	v15 =	vld [tilespmem:s19+$0x19720]  }
0xad: {  	[tilespmem:s19+$0x640] =	vst.add.f32.msk $0xffff, v1  }
0xae: {  	[tilespmem:s19+$0x3840] =	vst.add.f32.msk $0xffff, v1  }
0xaf: {  	[tilespmem:s19+$0x6A40] =	vst.add.f32.msk $0xffff, v1  }
0xb0: {  	[tilespmem:s19+$0x9C40] =	vst.add.f32.msk $0xffff, v1  }
0xb1: {  	[tilespmem:s19+$0x650] =	vst.add.f32.msk $0xffff, v2  }
0xb2: {  	[tilespmem:s19+$0x3850] =	vst.add.f32.msk $0xffff, v2  }
0xb3: {  	[tilespmem:s19+$0x6A50] =	vst.add.f32.msk $0xffff, v2  }
0xb4: {  	[tilespmem:s19+$0x9C50] =	vst.add.f32.msk $0xffff, v2  }
0xb5: {  	[tilespmem:s19+$0x660] =	vst.add.f32.msk $0xffff, v3  }
0xb6: {  	[tilespmem:s19+$0x3860] =	vst.add.f32.msk $0xffff, v3  }
0xb7: {  	[tilespmem:s19+$0x6A60] =	vst.add.f32.msk $0xffff, v3  }
0xb8: {  	[tilespmem:s19+$0x9C60] =	vst.add.f32.msk $0xffff, v3  }
0xb9: {  	[tilespmem:s19+$0x670] =	vst.add.f32.msk $0xffff, v4  }
0xba: {  	[tilespmem:s19+$0x3870] =	vst.add.f32.msk $0xffff, v4  }
0xbb: {  	[tilespmem:s19+$0x6A70] =	vst.add.f32.msk $0xffff, v4  }
0xbc: {  	[tilespmem:s19+$0x9C70] =	vst.add.f32.msk $0xffff, v4  }
0xbd: {  	[tilespmem:s19+$0x680] =	vst.add.f32.msk $0xffff, v5  }
0xbe: {  	[tilespmem:s19+$0x3880] =	vst.add.f32.msk $0xffff, v5  }
0xbf: {  	[tilespmem:s19+$0x6A80] =	vst.add.f32.msk $0xffff, v5  }
0xc0: {  	[tilespmem:s19+$0x9C80] =	vst.add.f32.msk $0xffff, v5  }
0xc1: {  	[tilespmem:s19+$0x690] =	vst.add.f32.msk $0xffff, v6  }
0xc2: {  	[tilespmem:s19+$0x3890] =	vst.add.f32.msk $0xffff, v6  }
0xc3: {  	[tilespmem:s19+$0x6A90] =	vst.add.f32.msk $0xffff, v6  }
0xc4: {  	[tilespmem:s19+$0x9C90] =	vst.add.f32.msk $0xffff, v6  }
0xc5: {  	[tilespmem:s19+$0x6A0] =	vst.add.f32.msk $0xffff, v7  }
0xc6: {  	[tilespmem:s19+$0x38A0] =	vst.add.f32.msk $0xffff, v7  }
0xc7: {  	[tilespmem:s19+$0x6AA0] =	vst.add.f32.msk $0xffff, v7  }
0xc8: {  	[tilespmem:s19+$0x9CA0] =	vst.add.f32.msk $0xffff, v7  }
0xc9: {  	[tilespmem:s19+$0x6B0] =	vst.add.f32.msk $0xffff, v8  }
0xca: {  	[tilespmem:s19+$0x38B0] =	vst.add.f32.msk $0xffff, v8  }
0xcb: {  	[tilespmem:s19+$0x6AB0] =	vst.add.f32.msk $0xffff, v8  }
0xcc: {  	[tilespmem:s19+$0x9CB0] =	vst.add.f32.msk $0xffff, v8  }
0xcd: {  	[tilespmem:s19+$0x6C0] =	vst.add.f32.msk $0xffff, v9  }
0xce: {  	[tilespmem:s19+$0x38C0] =	vst.add.f32.msk $0xffff, v9  }
0xcf: {  	[tilespmem:s19+$0x6AC0] =	vst.add.f32.msk $0xffff, v9  }
0xd0: {  	[tilespmem:s19+$0x9CC0] =	vst.add.f32.msk $0xffff, v9  }
0xd1: {  	[tilespmem:s19+$0x6D0] =	vst.add.f32.msk $0xffff, v10  }
0xd2: {  	[tilespmem:s19+$0x38D0] =	vst.add.f32.msk $0xffff, v10  }
0xd3: {  	[tilespmem:s19+$0x6AD0] =	vst.add.f32.msk $0xffff, v10  }
0xd4: {  	[tilespmem:s19+$0x9CD0] =	vst.add.f32.msk $0xffff, v10  }
0xd5: {  	[tilespmem:s19+$0x6E0] =	vst.add.f32.msk $0xffff, v11  }
0xd6: {  	[tilespmem:s19+$0x38E0] =	vst.add.f32.msk $0xffff, v11  }
0xd7: {  	[tilespmem:s19+$0x6AE0] =	vst.add.f32.msk $0xffff, v11  }
0xd8: {  	[tilespmem:s19+$0x9CE0] =	vst.add.f32.msk $0xffff, v11  }
0xd9: {  	[tilespmem:s19+$0x6F0] =	vst.add.f32.msk $0xffff, v12  }
0xda: {  	[tilespmem:s19+$0x38F0] =	vst.add.f32.msk $0xffff, v12  }
0xdb: {  	[tilespmem:s19+$0x6AF0] =	vst.add.f32.msk $0xffff, v12  }
0xdc: {  	[tilespmem:s19+$0x9CF0] =	vst.add.f32.msk $0xffff, v12  }
0xdd: {  	[tilespmem:s19+$0x700] =	vst.add.f32.msk $0xffff, v13  }
0xde: {  	[tilespmem:s19+$0x3900] =	vst.add.f32.msk $0xffff, v13  }
0xdf: {  	[tilespmem:s19+$0x6B00] =	vst.add.f32.msk $0xffff, v13  }
0xe0: {  	[tilespmem:s19+$0x9D00] =	vst.add.f32.msk $0xffff, v13  }
0xe1: {  	[tilespmem:s19+$0x710] =	vst.add.f32.msk $0xffff, v14  }
0xe2: {  	[tilespmem:s19+$0x3910] =	vst.add.f32.msk $0xffff, v14  }
0xe3: {  	[tilespmem:s19+$0x6B10] =	vst.add.f32.msk $0xffff, v14  }
0xe4: {  	[tilespmem:s19+$0x9D10] =	vst.add.f32.msk $0xffff, v14  }
0xe5: {  	[tilespmem:s19+$0x720] =	vst.add.f32.msk $0xffff, v15  }
.Ltmp0:
0xe6: {  	[tilespmem:s19+$0x3920] =	vst.add.f32.msk $0xffff, v15;
	(pc) =	sbr.rel @p0 .LBB2_3-.Ltmp0, $4  }
0xe7: {  	[tilespmem:s19+$0x6B20] =	vst.add.f32.msk $0xffff, v15  }
0xe8: {  	[tilespmem:s19+$0x9D20] =	vst.add.f32.msk $0xffff, v15  }
0xe9: {  	[tilespmem:s19+$0x730] =	vst.add.f32.msk $0xffff, v0  }
0xea: {  	s21 =	sadd.s32 $0x400, s21;
	[tilespmem:s19+$0x3930] =	vst.add.f32.msk $0xffff, v0  }
0xeb: {  	s20 =	sadd.s32 s6, s18  }
0xec: {  	p0 =	seq.s32 s15, $0xF;
	s20 =	sshll.u32 s20, $0x3  }
0xed: {  	[tilespmem:s19+$0x6B30] =	vst.add.f32.msk $0xffff, v0;
	s21 =	simm.s32 $0x640;
	s19 =	simm.s32 @!p0 $0x3;
	s20 =	sadd.s32 s4, s20  }
0xee: {  	[hbm4b:s20+s5] =	stream.linear.scatter [tilespmem:s21], [sflag:$0x3], $0xC800, $0x38;
	[tilespmem:$0x1C840] =	vst v63  }
0xef: {  	s18 =	sadd.s32 @!p0 s18, s10;
	_ =	swait.ge @!p0 [sflag:s19], $0xC800  }
0xf0: {  	s18 =	sshrl.u32 @!p0 s18, $0x3;
	[sflag:s19] =	ssyncset.done @!p0 $0x0  }
0xf1: {  	s18 =	sadd.s32 @!p0 s1, s18;
	[sflag:s19] =	ssyncadd.s32 @!p0 $0xFFFF3800;
	s19 =	simm.s32 @!p0 $0x0  }
0xf2: {  	[tilespmem:s19], [sflag:$0x5] =	stream.linear.gather @!p0 [hbm4b:s18+s19], $0x320, $0x38;
	[tilespmem:$0x1C840] =	vst v63  }
0xf3: {  	s18 =	simm.s32 @!p0 $0x5  }
0xf4: {  	_ =	swait.ge @!p0 [sflag:s18], $0x320  }
0xf5: {  	[sflag:s18] =	ssyncset.done @!p0 $0x0  }
0xf6: {  	s20 =	simm.s32 @!p0 $0x640;
	[sflag:s18] =	ssyncadd.s32 @!p0 $0xFFFFFCE0;
	s18 =	simm.s32 @!p0 $0x50  }
0xf7: {  	[tilespmem:s20], [sflag:$0x1] =	stream.indirect.gather @!p0 [hbm4b:s7+s18], $0x40, s19, s18, $0xb8;
	[tilespmem:$0x1C840] =	vst v63  }
0xf8: {  	s19 =	simm.s32 @!p0 $0x1A40  }
0xf9: {  	[tilespmem:s19], [sflag:$0x1] =	stream.indirect.gather @!p0 [hbm4b:s7+s18], $0x40, s18, s18, $0xb8;
	[tilespmem:$0x1C840] =	vst v63  }
0xfa: {  	s20 =	simm.s32 @!p0 $0x2E40;
	s19 =	simm.s32 @!p0 $0xA0  }
0xfb: {  	[tilespmem:s20], [sflag:$0x1] =	stream.indirect.gather @!p0 [hbm4b:s7+s18], $0x40, s19, s18, $0xb8;
	[tilespmem:$0x1C840] =	vst v63  }
0xfc: {  	s19 =	simm.s32 @!p0 $0xF0;
	s20 =	simm.s32 @!p0 $0x4240  }
0xfd: {  	[tilespmem:s20], [sflag:$0x1] =	stream.indirect.gather @!p0 [hbm4b:s7+s18], $0x40, s19, s18, $0xb8;
	[tilespmem:$0x1C840] =	vst v63  }
0xfe: {  	s19 =	simm.s32 @!p0 $0x140;
	s20 =	simm.s32 @!p0 $0x5640  }
0xff: {  	[tilespmem:s20], [sflag:$0x1] =	stream.indirect.gather @!p0 [hbm4b:s7+s18], $0x40, s19, s18, $0xb8;
	[tilespmem:$0x1C840] =	vst v63  }
0x100: {  	s19 =	simm.s32 @!p0 $0x190;
	s20 =	simm.s32 @!p0 $0x6A40  }
0x101: {  	[tilespmem:s20], [sflag:$0x1] =	stream.indirect.gather @!p0 [hbm4b:s7+s18], $0x40, s19, s18, $0xb8;
	[tilespmem:$0x1C840] =	vst v63  }
0x102: {  	s19 =	simm.s32 @!p0 $0x1E0;
	s20 =	simm.s32 @!p0 $0x7E40  }
0x103: {  	[tilespmem:s20], [sflag:$0x1] =	stream.indirect.gather @!p0 [hbm4b:s7+s18], $0x40, s19, s18, $0xb8;
	[tilespmem:$0x1C840] =	vst v63  }
0x104: {  	s19 =	simm.s32 @!p0 $0x230;
	s20 =	simm.s32 @!p0 $0x9240  }
0x105: {  	[tilespmem:s20], [sflag:$0x1] =	stream.indirect.gather @!p0 [hbm4b:s7+s18], $0x40, s19, s18, $0xb8;
	[tilespmem:$0x1C840] =	vst v63  }
0x106: {  	s19 =	simm.s32 @!p0 $0x280;
	s20 =	simm.s32 @!p0 $0xA640  }
0x107: {  	[tilespmem:s20], [sflag:$0x1] =	stream.indirect.gather @!p0 [hbm4b:s7+s18], $0x40, s19, s18, $0xb8;
	[tilespmem:$0x1C840] =	vst v63  }
0x108: {  	s19 =	simm.s32 @!p0 $0x2D0;
	s20 =	simm.s32 @!p0 $0xBA40  }
0x109: {  	[tilespmem:s20], [sflag:$0x1] =	stream.indirect.gather @!p0 [hbm4b:s7+s18], $0x40, s19, s18, $0xb8;
	[tilespmem:$0x1C840] =	vst v63  }
0x10a: {  	_ =	swait.ge [sflag:s16], $0xC800  }
0x10b: {  	[sflag:s16] =	ssyncset.done $0x0  }
0x10c: {  	s18 =	simm.s32 $0x0;
	[sflag:s16] =	ssyncadd.s32 $0xFFFF3800  }
0x10d: {  	v0 =	vld [tilespmem:s18+$0x19730]  }
0x10e: {  	v1 =	vld [tilespmem:s18+$0x19640]  }
0x10f: {  	v2 =	vld [tilespmem:s18+$0x19650]  }
0x110: {  	v3 =	vld [tilespmem:s18+$0x19660]  }
0x111: {  	v4 =	vld [tilespmem:s18+$0x19670]  }
0x112: {  	v5 =	vld [tilespmem:s18+$0x19680]  }
0x113: {  	v6 =	vld [tilespmem:s18+$0x19690]  }
0x114: {  	v7 =	vld [tilespmem:s18+$0x196A0]  }
0x115: {  	v8 =	vld [tilespmem:s18+$0x196B0]  }
0x116: {  	v9 =	vld [tilespmem:s18+$0x196C0]  }
0x117: {  	v10 =	vld [tilespmem:s18+$0x196D0]  }
0x118: {  	v11 =	vld [tilespmem:s18+$0x196E0]  }
0x119: {  	v12 =	vld [tilespmem:s18+$0x196F0]  }
0x11a: {  	v13 =	vld [tilespmem:s18+$0x19700]  }
0x11b: {  	v14 =	vld [tilespmem:s18+$0x19710]  }
0x11c: {  	v15 =	vld [tilespmem:s18+$0x19720]  }
0x11d: {  	[tilespmem:s18+$0x16530] =	vst.add.f32.msk $0xffff, v0  }
0x11e: {  	[tilespmem:s18+$0xCE40] =	vst.add.f32.msk $0xffff, v1  }
0x11f: {  	[tilespmem:s18+$0x10040] =	vst.add.f32.msk $0xffff, v1  }
0x120: {  	[tilespmem:s18+$0x13240] =	vst.add.f32.msk $0xffff, v1  }
0x121: {  	[tilespmem:s18+$0x16440] =	vst.add.f32.msk $0xffff, v1  }
0x122: {  	[tilespmem:s18+$0xCE50] =	vst.add.f32.msk $0xffff, v2  }
0x123: {  	[tilespmem:s18+$0x10050] =	vst.add.f32.msk $0xffff, v2  }
0x124: {  	[tilespmem:s18+$0x13250] =	vst.add.f32.msk $0xffff, v2  }
0x125: {  	[tilespmem:s18+$0x16450] =	vst.add.f32.msk $0xffff, v2  }
0x126: {  	[tilespmem:s18+$0xCE60] =	vst.add.f32.msk $0xffff, v3  }
0x127: {  	[tilespmem:s18+$0x10060] =	vst.add.f32.msk $0xffff, v3  }
0x128: {  	[tilespmem:s18+$0x13260] =	vst.add.f32.msk $0xffff, v3  }
0x129: {  	[tilespmem:s18+$0x16460] =	vst.add.f32.msk $0xffff, v3  }
0x12a: {  	[tilespmem:s18+$0xCE70] =	vst.add.f32.msk $0xffff, v4  }
0x12b: {  	[tilespmem:s18+$0x10070] =	vst.add.f32.msk $0xffff, v4  }
0x12c: {  	[tilespmem:s18+$0x13270] =	vst.add.f32.msk $0xffff, v4  }
0x12d: {  	[tilespmem:s18+$0x16470] =	vst.add.f32.msk $0xffff, v4  }
0x12e: {  	[tilespmem:s18+$0xCE80] =	vst.add.f32.msk $0xffff, v5  }
0x12f: {  	[tilespmem:s18+$0x10080] =	vst.add.f32.msk $0xffff, v5  }
0x130: {  	[tilespmem:s18+$0x13280] =	vst.add.f32.msk $0xffff, v5  }
0x131: {  	[tilespmem:s18+$0x16480] =	vst.add.f32.msk $0xffff, v5  }
0x132: {  	[tilespmem:s18+$0xCE90] =	vst.add.f32.msk $0xffff, v6  }
0x133: {  	[tilespmem:s18+$0x10090] =	vst.add.f32.msk $0xffff, v6  }
0x134: {  	[tilespmem:s18+$0x13290] =	vst.add.f32.msk $0xffff, v6  }
0x135: {  	[tilespmem:s18+$0x16490] =	vst.add.f32.msk $0xffff, v6  }
0x136: {  	[tilespmem:s18+$0xCEA0] =	vst.add.f32.msk $0xffff, v7  }
0x137: {  	[tilespmem:s18+$0x100A0] =	vst.add.f32.msk $0xffff, v7  }
0x138: {  	[tilespmem:s18+$0x132A0] =	vst.add.f32.msk $0xffff, v7  }
0x139: {  	[tilespmem:s18+$0x164A0] =	vst.add.f32.msk $0xffff, v7  }
0x13a: {  	[tilespmem:s18+$0xCEB0] =	vst.add.f32.msk $0xffff, v8  }
0x13b: {  	[tilespmem:s18+$0x100B0] =	vst.add.f32.msk $0xffff, v8  }
0x13c: {  	[tilespmem:s18+$0x132B0] =	vst.add.f32.msk $0xffff, v8  }
0x13d: {  	[tilespmem:s18+$0x164B0] =	vst.add.f32.msk $0xffff, v8  }
0x13e: {  	[tilespmem:s18+$0xCEC0] =	vst.add.f32.msk $0xffff, v9  }
0x13f: {  	[tilespmem:s18+$0x100C0] =	vst.add.f32.msk $0xffff, v9  }
0x140: {  	[tilespmem:s18+$0x132C0] =	vst.add.f32.msk $0xffff, v9  }
0x141: {  	[tilespmem:s18+$0x164C0] =	vst.add.f32.msk $0xffff, v9  }
0x142: {  	[tilespmem:s18+$0xCED0] =	vst.add.f32.msk $0xffff, v10  }
0x143: {  	[tilespmem:s18+$0x100D0] =	vst.add.f32.msk $0xffff, v10  }
0x144: {  	[tilespmem:s18+$0x132D0] =	vst.add.f32.msk $0xffff, v10  }
0x145: {  	[tilespmem:s18+$0x164D0] =	vst.add.f32.msk $0xffff, v10  }
0x146: {  	[tilespmem:s18+$0xCEE0] =	vst.add.f32.msk $0xffff, v11  }
0x147: {  	[tilespmem:s18+$0x100E0] =	vst.add.f32.msk $0xffff, v11  }
0x148: {  	[tilespmem:s18+$0x132E0] =	vst.add.f32.msk $0xffff, v11  }
0x149: {  	[tilespmem:s18+$0x164E0] =	vst.add.f32.msk $0xffff, v11  }
0x14a: {  	[tilespmem:s18+$0xCEF0] =	vst.add.f32.msk $0xffff, v12  }
0x14b: {  	[tilespmem:s18+$0x100F0] =	vst.add.f32.msk $0xffff, v12  }
0x14c: {  	[tilespmem:s18+$0x132F0] =	vst.add.f32.msk $0xffff, v12  }
0x14d: {  	[tilespmem:s18+$0x164F0] =	vst.add.f32.msk $0xffff, v12  }
0x14e: {  	[tilespmem:s18+$0xCF00] =	vst.add.f32.msk $0xffff, v13  }
0x14f: {  	[tilespmem:s18+$0x10100] =	vst.add.f32.msk $0xffff, v13  }
0x150: {  	[tilespmem:s18+$0x13300] =	vst.add.f32.msk $0xffff, v13  }
0x151: {  	[tilespmem:s18+$0x16500] =	vst.add.f32.msk $0xffff, v13  }
0x152: {  	[tilespmem:s18+$0xCF10] =	vst.add.f32.msk $0xffff, v14  }
0x153: {  	[tilespmem:s18+$0x10110] =	vst.add.f32.msk $0xffff, v14  }
0x154: {  	[tilespmem:s18+$0x13310] =	vst.add.f32.msk $0xffff, v14  }
0x155: {  	[tilespmem:s18+$0x16510] =	vst.add.f32.msk $0xffff, v14  }
0x156: {  	[tilespmem:s18+$0xCF20] =	vst.add.f32.msk $0xffff, v15  }
0x157: {  	[tilespmem:s18+$0x10120] =	vst.add.f32.msk $0xffff, v15  }
0x158: {  	[tilespmem:s18+$0x13320] =	vst.add.f32.msk $0xffff, v15  }
0x159: {  	[tilespmem:s18+$0x16520] =	vst.add.f32.msk $0xffff, v15  }
0x15a: {  	[tilespmem:s18+$0xCF30] =	vst.add.f32.msk $0xffff, v0  }
0x15b: {  	s19 =	simm.s32 $0x0;
	s20 =	simm.s32 $0x400;
	[tilespmem:s18+$0x10130] =	vst.add.f32.msk $0xffff, v0  }
.LBB2_5:
0x15c: {  	s19 =	sadd.s32 $0x4, s19;
	[tilespmem:s18+$0x13330] =	vst.add.f32.msk $0xffff, v0;
	s18 =	sshra.s32 s20, $0x2  }
0x15d: {  	v0 =	vld [tilespmem:s18+$0x19730];
	p0 =	slt.u32 s19, $0xC4  }
0x15e: {  	v1 =	vld [tilespmem:s18+$0x19640]  }
0x15f: {  	v2 =	vld [tilespmem:s18+$0x19650]  }
0x160: {  	v3 =	vld [tilespmem:s18+$0x19660]  }
0x161: {  	v4 =	vld [tilespmem:s18+$0x19670]  }
0x162: {  	[tilespmem:s18+$0x16530] =	vst.add.f32.msk $0xffff, v0  }
0x163: {  	v5 =	vld [tilespmem:s18+$0x19680]  }
0x164: {  	v6 =	vld [tilespmem:s18+$0x19690]  }
0x165: {  	v7 =	vld [tilespmem:s18+$0x196A0]  }
0x166: {  	v8 =	vld [tilespmem:s18+$0x196B0]  }
0x167: {  	v9 =	vld [tilespmem:s18+$0x196C0]  }
0x168: {  	v10 =	vld [tilespmem:s18+$0x196D0]  }
0x169: {  	v11 =	vld [tilespmem:s18+$0x196E0]  }
0x16a: {  	v12 =	vld [tilespmem:s18+$0x196F0]  }
0x16b: {  	v13 =	vld [tilespmem:s18+$0x19700]  }
0x16c: {  	v14 =	vld [tilespmem:s18+$0x19710]  }
0x16d: {  	v15 =	vld [tilespmem:s18+$0x19720]  }
0x16e: {  	[tilespmem:s18+$0xCE40] =	vst.add.f32.msk $0xffff, v1  }
0x16f: {  	[tilespmem:s18+$0x10040] =	vst.add.f32.msk $0xffff, v1  }
0x170: {  	[tilespmem:s18+$0x13240] =	vst.add.f32.msk $0xffff, v1  }
0x171: {  	[tilespmem:s18+$0x16440] =	vst.add.f32.msk $0xffff, v1  }
0x172: {  	[tilespmem:s18+$0xCE50] =	vst.add.f32.msk $0xffff, v2  }
0x173: {  	[tilespmem:s18+$0x10050] =	vst.add.f32.msk $0xffff, v2  }
0x174: {  	[tilespmem:s18+$0x13250] =	vst.add.f32.msk $0xffff, v2  }
0x175: {  	[tilespmem:s18+$0x16450] =	vst.add.f32.msk $0xffff, v2  }
0x176: {  	[tilespmem:s18+$0xCE60] =	vst.add.f32.msk $0xffff, v3  }
0x177: {  	[tilespmem:s18+$0x10060] =	vst.add.f32.msk $0xffff, v3  }
0x178: {  	[tilespmem:s18+$0x13260] =	vst.add.f32.msk $0xffff, v3  }
0x179: {  	[tilespmem:s18+$0x16460] =	vst.add.f32.msk $0xffff, v3  }
0x17a: {  	[tilespmem:s18+$0xCE70] =	vst.add.f32.msk $0xffff, v4  }
0x17b: {  	[tilespmem:s18+$0x10070] =	vst.add.f32.msk $0xffff, v4  }
0x17c: {  	[tilespmem:s18+$0x13270] =	vst.add.f32.msk $0xffff, v4  }
0x17d: {  	[tilespmem:s18+$0x16470] =	vst.add.f32.msk $0xffff, v4  }
0x17e: {  	[tilespmem:s18+$0xCE80] =	vst.add.f32.msk $0xffff, v5  }
0x17f: {  	[tilespmem:s18+$0x10080] =	vst.add.f32.msk $0xffff, v5  }
0x180: {  	[tilespmem:s18+$0x13280] =	vst.add.f32.msk $0xffff, v5  }
0x181: {  	[tilespmem:s18+$0x16480] =	vst.add.f32.msk $0xffff, v5  }
0x182: {  	[tilespmem:s18+$0xCE90] =	vst.add.f32.msk $0xffff, v6  }
0x183: {  	[tilespmem:s18+$0x10090] =	vst.add.f32.msk $0xffff, v6  }
0x184: {  	[tilespmem:s18+$0x13290] =	vst.add.f32.msk $0xffff, v6  }
0x185: {  	[tilespmem:s18+$0x16490] =	vst.add.f32.msk $0xffff, v6  }
0x186: {  	[tilespmem:s18+$0xCEA0] =	vst.add.f32.msk $0xffff, v7  }
0x187: {  	[tilespmem:s18+$0x100A0] =	vst.add.f32.msk $0xffff, v7  }
0x188: {  	[tilespmem:s18+$0x132A0] =	vst.add.f32.msk $0xffff, v7  }
0x189: {  	[tilespmem:s18+$0x164A0] =	vst.add.f32.msk $0xffff, v7  }
0x18a: {  	[tilespmem:s18+$0xCEB0] =	vst.add.f32.msk $0xffff, v8  }
0x18b: {  	[tilespmem:s18+$0x100B0] =	vst.add.f32.msk $0xffff, v8  }
0x18c: {  	[tilespmem:s18+$0x132B0] =	vst.add.f32.msk $0xffff, v8  }
0x18d: {  	[tilespmem:s18+$0x164B0] =	vst.add.f32.msk $0xffff, v8  }
0x18e: {  	[tilespmem:s18+$0xCEC0] =	vst.add.f32.msk $0xffff, v9  }
0x18f: {  	[tilespmem:s18+$0x100C0] =	vst.add.f32.msk $0xffff, v9  }
0x190: {  	[tilespmem:s18+$0x132C0] =	vst.add.f32.msk $0xffff, v9  }
0x191: {  	[tilespmem:s18+$0x164C0] =	vst.add.f32.msk $0xffff, v9  }
0x192: {  	[tilespmem:s18+$0xCED0] =	vst.add.f32.msk $0xffff, v10  }
0x193: {  	[tilespmem:s18+$0x100D0] =	vst.add.f32.msk $0xffff, v10  }
0x194: {  	[tilespmem:s18+$0x132D0] =	vst.add.f32.msk $0xffff, v10  }
0x195: {  	[tilespmem:s18+$0x164D0] =	vst.add.f32.msk $0xffff, v10  }
0x196: {  	[tilespmem:s18+$0xCEE0] =	vst.add.f32.msk $0xffff, v11  }
0x197: {  	[tilespmem:s18+$0x100E0] =	vst.add.f32.msk $0xffff, v11  }
0x198: {  	[tilespmem:s18+$0x132E0] =	vst.add.f32.msk $0xffff, v11  }
0x199: {  	[tilespmem:s18+$0x164E0] =	vst.add.f32.msk $0xffff, v11  }
0x19a: {  	[tilespmem:s18+$0xCEF0] =	vst.add.f32.msk $0xffff, v12  }
0x19b: {  	[tilespmem:s18+$0x100F0] =	vst.add.f32.msk $0xffff, v12  }
0x19c: {  	[tilespmem:s18+$0x132F0] =	vst.add.f32.msk $0xffff, v12  }
0x19d: {  	[tilespmem:s18+$0x164F0] =	vst.add.f32.msk $0xffff, v12  }
0x19e: {  	[tilespmem:s18+$0xCF00] =	vst.add.f32.msk $0xffff, v13  }
0x19f: {  	[tilespmem:s18+$0x10100] =	vst.add.f32.msk $0xffff, v13  }
0x1a0: {  	[tilespmem:s18+$0x13300] =	vst.add.f32.msk $0xffff, v13  }
0x1a1: {  	[tilespmem:s18+$0x16500] =	vst.add.f32.msk $0xffff, v13  }
0x1a2: {  	[tilespmem:s18+$0xCF10] =	vst.add.f32.msk $0xffff, v14  }
0x1a3: {  	[tilespmem:s18+$0x10110] =	vst.add.f32.msk $0xffff, v14  }
0x1a4: {  	[tilespmem:s18+$0x13310] =	vst.add.f32.msk $0xffff, v14  }
0x1a5: {  	[tilespmem:s18+$0x16510] =	vst.add.f32.msk $0xffff, v14  }
0x1a6: {  	[tilespmem:s18+$0xCF20] =	vst.add.f32.msk $0xffff, v15  }
.Ltmp1:
0x1a7: {  	[tilespmem:s18+$0x10120] =	vst.add.f32.msk $0xffff, v15;
	(pc) =	sbr.rel @p0 .LBB2_5-.Ltmp1, $4  }
0x1a8: {  	[tilespmem:s18+$0x13320] =	vst.add.f32.msk $0xffff, v15  }
0x1a9: {  	[tilespmem:s18+$0x16520] =	vst.add.f32.msk $0xffff, v15  }
0x1aa: {  	[tilespmem:s18+$0xCF30] =	vst.add.f32.msk $0xffff, v0  }
0x1ab: {  	s20 =	sadd.s32 $0x400, s20;
	[tilespmem:s18+$0x10130] =	vst.add.f32.msk $0xffff, v0  }
0x1ac: {  	s15 =	sadd.s32 $0x1, s15  }
0x1ad: {  	p0 =	sne.s32 s15, $0x10  }
.Ltmp2:
0x1ae: {  	_ = 	snop;
	(pc) =	sbr.rel @p0 .LBB2_2-.Ltmp2, $4  }
0x1af: {  	s17 =	sshll.u32 s17, $0x3  }
0x1b0: {  	s17 =	sand.u32 $0x1FFFFF00, s17  }
0x1b1: {  	[tilespmem:s18+$0x13330] =	vst.add.f32.msk $0xffff, v0;
	s17 =	sadd.s32 s4, s17  }
0x1b2: {  	[hbm4b:s17+s5] =	stream.linear.scatter [tilespmem:s12], [sflag:$0x4], $0xC800, $0x38;
	[tilespmem:$0x1C840] =	vst v63  }
0x1b3: {  	s15 =	simm.s32 $0x3  }
0x1b4: {  	_ =	swait.ge [sflag:s15], $0xC800  }
0x1b5: {  	[sflag:s15] =	ssyncset.done $0x0  }
0x1b6: {  	s17 =	simm.s32 $0x4;
	[sflag:s15] =	ssyncadd.s32 $0xFFFF3800  }
0x1b7: {  	_ =	swait.ge [sflag:s17], $0xC800  }
0x1b8: {  	s18 =	rddreg [dreg:$0x7]  }
0x1b9: {  	s21 =	rddreg [dreg:$0x6];
	s18 =	sadd.s32 $0x1, s18  }
0x1ba: {  	p0 =	sne.s32 s18, s21  }
.Ltmp3:
0x1bb: {  	_ = 	snop;
	(pc) =	sbr.rel @p0 .LBB2_1-.Ltmp3, $3  }
0x1bc: {  	_ =	sdelay $0x1  }
0x1bd: {  	[sflag:s17] =	ssyncset.done $0x0  }
0x1be: {  	[sflag:s17] =	ssyncadd.s32 $0xFFFF3800  }
0x1bf: {  	_ =	sfence.sel $0x180000  }
0x1c0: {  	[bflag:$0x0] =	sbarrier.arrive $0xFFFF  }
0x1c1: {  	_ =	strace $0x90000047  }
0x1c2: {  	s0 =	stileid.u32;
	[bflag:$0x2] =	sbarrier.arrive $0xFFFF  }
0x1c3: {  	p0 =	sne.s32 s0, $0x0;
	s0 =	rddreg [dreg:$0x4]  }
0x1c4: {  	s0 =	sadd.s32 @!p0 $0x100000, s0  }
0x1c5: {  	[sflag:s0] =	ssyncadd.tile.s32 @!p0 $0x1;
	_ =	shalt  }
.Lfunc_end2:
_tile_overlayer_lowered:
.L_overlay_start_2:
0x1c6: {  	(tag) =	ssettag $0x2  }
0x1c7: {  	s0 =	rddreg [dreg:$0x0];
	s2 =	stileid.u32  }
0x1c8: {  	s1 =	rddreg [dreg:$0x1];
	p0 =	sne.s32 s2, $0x0  }
0x1c9: {  	s3 =	rddreg [dreg:$0x2];
	[bflag:$0x3] =	sbarrier.arrive $0xFFFF;
	s2 =	simm.s32 @!p0 $0x1C05  }
0x1ca: {  	[timem:s3], [sflag:s2] =	dma.local @!p0 [hbm:s0], s1  }
0x1cb: {  	s0 =	simm.s32 @!p0 $0x5  }
0x1cc: {  	_ =	swait.ge @!p0 [sflag:s0], s1  }
0x1cd: {  	s1 =	ssub.s32 @!p0 $0x0, s1;
	[sflag:s0] =	ssyncset.done @!p0 $0x0  }
0x1ce: {  	[sflag:s0] =	ssyncadd.s32 @!p0 s1  }
0x1cf: {  	[bflag:$0x3] =	sbarrier.arrive $0xFFFF  }
0x1d0: {  	_ =	shalt  }

// kernel: sparse-core-data-format-call.cloned.1.call-start
scs
called_computation_lowered:
.L_overlay_start_0:
0x0: {  	s2 =	sld [smem:$0x3FD9]  }
0x1: {  	s3 =	sld [smem:$0x3FFE];
	_ =	sdelay $0x1  }
0x2: {  	s1 =	srdreg.scid  }
0x3: {  	s0 =	sand.u32 $0x1, s1  }
0x4: {  	s18 =	sshll.u32 s0, $0xA;
	s2 =	sadd.s32 s3, s2  }
0x5: {  	s2 =	sadd.s32 s2, s18  }
0x6: {  	[smem:$0x3FC5] =	sst s2  }
0x7: {  	_ = 	snop  }
0x8: {  	s2 =	sld [smem:$0x3FD0];
	(tm) =	ssettm $0x1  }
0x9: {  	s19 =	sld [smem:$0x3FFB];
	_ =	sdelay $0x3  }
0xa: {  	_ =	strace s19  }
0xb: {  	s3 =	sld [smem:$0x3FFC];
	_ =	sdelay $0x3  }
0xc: {  	_ =	strace s3  }
0xd: {  	s3 =	sld [smem:$0x3FFD];
	_ =	sdelay $0x3  }
0xe: {  	_ =	strace s3  }
0xf: {  	_ =	strace $0x8FFFFFFF  }
0x10: {  	s20 =	sld [smem:$0x3FDB];
	_ =	sdelay $0x1  }
0x11: {  	s4 =	simm.s32 $_scs_section_size  }
0x12: {  	s5 =	simm.s32 $_size__tile_overlayer_lowered;
	s6 =	simm.s32 $_tile_overlayer_lowered  }
0x13: {  	s23 =	simm.s32 $0x1BFF;
	s22 =	sshll.u32 s6, $0x1;
	s3 =	sadd.s32 s4, s20  }
0x14: {  	s7 =	simm.s32 $0x0;
	s21 =	sshll.u32 s5, $0x1;
	s5 =	sadd.s32 s22, s3  }
0x15: {  	[timem:s7], [sflag:s23] =	dma.local [hbm:s5], s21  }
0x16: {  	_ =	swait.ge [sflag:s23], s21  }
0x17: {  	s4 =	ssub.s32 $0x0, s21;
	[sflag:s23] =	ssyncset.done $0x0  }
0x18: {  	[sflag:s23] =	ssyncadd.s32 s4;
	_ =	sdelay $0x1  }
0x19: {  	s24 =	simm.s32 $0x1B8B  }
0x1a: {  	_ =	swait.ge [sflag:s24], $0x1  }
0x1b: {  	[sflag:s24] =	ssyncset.done $0x0  }
0x1c: {  	s26 =	simm.s32 $0x1B8E;
	s25 =	sld [smem:$0x3FFE];
	[sflag:s24] =	ssyncadd.s32 $0xFFFFFFFF  }
0x1d: {  	s27 =	simm.s32 $execute0_lowered;
	[smem:$0x3FD2] =	sst s26  }
0x1e: {  	s5 =	sshll.u32 s27, $0x1;
	_ =	strace $0x80000049;
	[dreg:$0x1] =	wrdreg $0xFFFFFFFF  }
0x1f: {  	s28 =	simm.s32 $_size_execute0_lowered;
	s3 =	sadd.s32 s3, s5;
	[dreg:$0x0] =	wrdreg $0x0  }
0x20: {  	s5 =	sshll.u32 s28, $0x1;
	[dreg:$0x2] =	wrdreg s3  }
0x21: {  	[dreg:$0x3] =	wrdreg s5  }
0x22: {  	[dreg:$0x4] =	wrdreg $0xC0  }
0x23: {  	_ =	task [dreg:s7], $0x5FFFF  }
0x24: {  	[dreg:$0x1] =	wrdreg $0xFFFFFFFF  }
0x25: {  	[dreg:$0x0] =	wrdreg $0x60  }
0x26: {  	[dreg:$0x2] =	wrdreg s25  }
0x27: {  	[dreg:$0x3] =	wrdreg s2  }
0x28: {  	[dreg:$0x4] =	wrdreg $0x9  }
0x29: {  	_ =	task.clear_ibuf [dreg:s7], $0x5FFFF;
	_ =	strace $0x90000049  }
0x2a: {  	s29 =	simm.s32 $0x9;
	_ =	strace $0x8000004B  }
0x2b: {  	_ =	swait.ge [sflag:s29], $0x1  }
0x2c: {  	[sflag:s29] =	ssyncadd.s32 $0xFFFFFFFF  }
0x2d: {  	_ =	strace $0x9000004B  }
0x2e: {  	_ =	sfence  }
0x2f: {  	s30 =	sld [smem:$0x0];
	_ =	sdelay $0x2  }
0x30: {  	s31 =	sshll.u32 s1, $0xD;
	s1 =	sshrl.u32 s1, $0x2  }
0x31: {  	s3 =	sand.u32 $0x4000, s31;
	s1 =	sadd.s32 s1, s30  }
0x32: {  	s0 =	sor.u32 s3, s0;
	s1 =	sshll.u32 s1, $0x11  }
0x33: {  	s0 =	sor.u32 s1, s0  }
0x34: {  	s0 =	sadd.s32 $0x8F2B, s0  }
0x35: {  	[sflag:s0] =	ssyncadd.remote.s32 $0x1  }
0x36: {  	_ =	sfence.sel $0xFFFF  }
0x37: {  	[dreg:$0x0] =	wrdreg $0xFFFFFFFF;
	(pc) =	sbr.abs _section_cstart, $3  }
0x38: {  	[dreg:$0x1] =	wrdreg $0xFFFFFFFF  }
0x39: {  	_ =	task.clear_ibuf [dreg:s7], $0x2FFFF;
	_ =	strace $0x9FFFFFFF  }
0x3a: {  	(tm) =	ssettm $0x7FFFFFFF  }
0x3b: {  	_ =	shalt  }
tec
execute0_lowered:
.L_overlay_start_1:
0x0: {  	(tag) =	ssettag $0x1  }
0x1: {  	s0 =	srdreg.scid  }
0x2: {  	s1 =	sshll.u32 s0, $0x4  }
0x3: {  	s4 =	rddreg [dreg:$0x0];
	s0 =	stileid.u32;
	s1 =	sand.u32 $0x10, s1  }
0x4: {  	s2 =	rddreg [dreg:$0x1];
	s7 =	simm.s32 $0x1;
	s1 =	sor.u32 s0, s1  }
0x5: {  	s8 =	simm.s32 $0x2;
	s11 =	simm.s32 $0x0;
	s3 =	sshll.u32 s1, $0x7  }
0x6: {  	s10 =	simm.s32 $0x0;
	s4 =	sadd.s32 $0x800, s4;
	s6 =	ssub.s32 $0xC8000, s3  }
.Ltmp0:
0x7: {  	s1 =	rddreg [dreg:$0x2];
	s5 =	sand.u32 $0xF80, s6;
	(pc) =	sbr.rel .LBB1_1-.Ltmp0, $4  }
0x8: {  	_ =	strace $0x8000004A;
	s9 =	smov.u32 s3;
	p0 =	sne.s32 s5, $0x0  }
0x9: {  	s6 =	sshrl.u32 s6, $0xC;
	s5 =	simm.s32 $0x1;
	s7 =	simm.s32 @!p0 $0x0  }
0xa: {  	[sflag:s5] =	ssyncpa.u1 $0x0;
	p0 =	por $0x0, $0x0;
	s6 =	sadd.s32 s7, s6  }
0xb: {  	[sflag:s8] =	ssyncpa.u1 $0x0;
	s8 =	simm.s32 $0x640000;
	s7 =	sadd.s32 $0x1, s6  }
.LBB1_4:
0xc: {  	s14 =	sshll.u32 s11, $0x3  }
0xd: {  	s30 =	sand.u32 $0x7F, s11;
	s15 =	sand.u32 $0xFFFFFC00, s14  }
0xe: {  	s11 =	sor.u32 s30, s15  }
0xf: {  	s15 =	smulhi.u32 $0x51EB851F, s11  }
0x10: {  	s14 =	smulhi.u32 $0x51EB851F, s14  }
0x11: {  	s15 =	sshrl.u32 s15, $0x12  }
0x12: {  	s14 =	sshrl.u32 s14, $0x12;
	s15 =	smul.u32 $0xC8000, s15  }
0x13: {  	s14 =	sand.u32 $0x3F, s14  }
0x14: {  	s14 =	smul.u32 $0x19000, s14;
	s11 =	ssub.s32 s11, s15  }
0x15: {  	[tilespmem:s13+$0x810 ss:$0x81] =	vst.msk $0xffff, v2;
	s15 =	sand.u32 $0x7, s11  }
0x16: {  	[tilespmem:s13+$0x1020 ss:$0x81] =	vst.msk $0xffff, v0;
	s14 =	sadd.s32 s2, s14;
	s11 =	sshrl.u32 s11, $0x3;
	s15 =	sshll.u32 s15, $0x12  }
0x17: {  	[tilespmem:s13+$0x0 ss:$0x81] =	vst.msk $0xffff, v1;
	s11 =	sadd.s32 s11, s14;
	s31 =	sor.u32 $0x400, s15  }
0x18: {  	[hbm4b:s11+s31] =	stream.strided.scatter [tilespmem:s12], [sflag:$0x2], $0x2000, s8, s31, $0x20;
	[tilespmem:$0x8080] =	vst v63  }
.LBB1_5:
0x19: {  	s13 =	sadd.s32 $0x1000, s9  }
0x1a: {  	p2 =	sgt.s32 s13, $0xC7FFF  }
0x1b: {  	s13 =	smov.u32 @p2 s3;
	p2 =	sne.s32 s10, s7  }
.Ltmp1:
0x1c: {  	p1 =	slt.u32 s10, $0x2;
	(pc) =	sbr.rel @!p2 .LBB1_6-.Ltmp1, $4  }
0x1d: {  	s12 =	simm.s32 @!p1 $0x2  }
0x1e: {  	s14 =	sadd.s32 $0x1, s10;
	_ =	swait.ge @!p1 [sflag:s12], $0x2000  }
0x1f: {  	s11 =	smov.u32 s9;
	p0 =	por !p0, !p0;
	[sflag:s12] =	ssyncset.done @!p1 $0x0  }
0x20: {  	s10 =	smov.u32 s14;
	s9 =	smov.u32 s13;
	[sflag:s12] =	ssyncadd.s32 @!p1 $0xFFFFE000  }
.LBB1_1:
0x21: {  	p1 =	sge.u32 s10, s6  }
0x22: {  	s12 =	sand.u32 @!p1 $0x1FFFFFF, s9  }
0x23: {  	s13 =	smulhi.u32 @!p1 $0x147AE15, s12;
	_ =	sdelay $0x1  }
0x24: {  	s13 =	sshrl.u32 @!p1 s13, $0xC  }
0x25: {  	s13 =	smul.u32 @!p1 $0xC8000, s13;
	_ =	sdelay $0x1  }
0x26: {  	s31 =	sadd.s32 $0xFFFFFFFF, s10;
	s14 =	sxor.u32 @!p1 $0xFFFFFFFF, s10;
	s12 =	ssub.s32 @!p1 s12, s13  }
0x27: {  	s15 =	simm.s32 @!p1 $0x80;
	s14 =	sshll.u32 @!p1 s14, $0xD;
	s12 =	sshll.u32 @!p1 s12, $0x4  }
0x28: {  	s13 =	sand.u32 @!p1 $0x2000, s14;
	s14 =	simm.s32 @!p1 $0x40;
	s12 =	sadd.s32 @!p1 s4, s12  }
0x29: {  	[tilespmem:s13], [sflag:$0x1] =	stream.strided.gather @!p1 [hbm4b:s12+s14], $0x2000, s15, s14, $0x38;
	[tilespmem:$0x8080] =	vst v63  }
0x2a: {  	p1 =	sge.u32 s31, s6  }
.Ltmp2:
0x2b: {  	_ = 	snop;
	(pc) =	sbr.rel @p1 .LBB1_5-.Ltmp2, $1  }
0x2c: {  	_ =	sdelay $0x3  }
0x2d: {  	s12 =	simm.s32 $0x1  }
0x2e: {  	_ =	swait.ge [sflag:s5], $0x2000;
	s12 =	simm.s32 @!p0 $0x0  }
0x2f: {  	[sflag:s5] =	ssyncset.done $0x0;
	s13 =	sshll.u32 s12, $0xD  }
0x30: {  	[sflag:s5] =	ssyncadd.s32 $0xFFFFE000;
	s16 =	sor.u32 $0x20, s13  }
0x31: {  	s12 =	smul.u32 $0x8100, s12;
	v3 =	vld [tilespmem:s16+$0x10]  }
0x32: {  	s30 =	sand.u32 $0x1, s10;
	v2 =	vld [tilespmem:s16+$0xFFFFFFF0]  }
0x33: {  	s13 =	smul.u32 $0x8100, s30;
	s12 =	sshrl.u32 s12, $0x2;
	v0 =	vld [tilespmem:s16+$0x0]  }
0x34: {  	v1 =	vld [tilespmem:s16+$0xFFFFFFE0];
	s14 =	sor.u32 $0x4000, s12  }
0x35: {  	s31 =	sshrl.u32 s13, $0x2;
	s13 =	sadd.s32 $0x0, s14  }
0x36: {  	s15 =	simm.s32 $0x4;
	s16 =	sadd.s32 $0x40, s16;
	s12 =	sor.u32 $0x4000, s31;
	[tilespmem:s13+$0x1830 ss:$0x81] =	vst.msk $0xffff, v3  }
.LBB1_3:
0x37: {  	v3 =	vld [tilespmem:s16+$0x10];
	p1 =	sne.s32 s15, $0x1FC;
	[tilespmem:s13+$0x810 ss:$0x81] =	vst.msk $0xffff, v2;
	s17 =	smov.u32 s15;
	s15 =	sadd.s32 $0x4, s15  }
.Ltmp3:
0x38: {  	v2 =	vld [tilespmem:s16+$0xFFFFFFF0];
	[tilespmem:s13+$0x1020 ss:$0x81] =	vst.msk $0xffff, v0;
	(pc) =	sbr.rel @p1 .LBB1_3-.Ltmp3, $4  }
0x39: {  	v0 =	vld [tilespmem:s16+$0x0];
	[tilespmem:s13+$0x0 ss:$0x81] =	vst.msk $0xffff, v1  }
0x3a: {  	s13 =	sshra.s32 s17, $0x2;
	v1 =	vld [tilespmem:s16+$0xFFFFFFE0]  }
0x3b: {  	s13 =	sadd.s32 s13, s14  }
0x3c: {  	s16 =	sadd.s32 $0x40, s16;
	[tilespmem:s13+$0x1830 ss:$0x81] =	vst.msk $0xffff, v3  }
.Ltmp4:
0x3d: {  	_ = 	snop;
	(pc) =	sbr.rel .LBB1_4-.Ltmp4, $1  }
0x3e: {  	_ =	sdelay $0x3  }
.LBB1_6:
0x3f: {  	_ =	sfence.sel $0x180000  }
0x40: {  	s2 =	simm.s32 $0x1;
	[bflag:$0x0] =	sbarrier.arrive $0xFFFF  }
0x41: {  	s31 =	simm.s32 $0x2;
	[sflag:s2] =	ssyncpa.u1 $0x1  }
0x42: {  	[sflag:s31] =	ssyncpa.u1 $0x1  }
0x43: {  	p0 =	sne.s32 s0, $0x0;
	_ =	strace $0x9000004A  }
0x44: {  	s0 =	sadd.s32 @!p0 $0x100000, s1;
	[bflag:$0x2] =	sbarrier.arrive $0xFFFF  }
0x45: {  	[sflag:s0] =	ssyncadd.tile.s32 @!p0 $0x1;
	_ =	shalt  }
.Lfunc_end1:
_tile_overlayer_lowered:
.L_overlay_start_2:
0x46: {  	(tag) =	ssettag $0x2  }
0x47: {  	s0 =	rddreg [dreg:$0x0];
	s2 =	stileid.u32  }
0x48: {  	s1 =	rddreg [dreg:$0x1];
	p0 =	sne.s32 s2, $0x0  }
0x49: {  	s3 =	rddreg [dreg:$0x2];
	[bflag:$0x3] =	sbarrier.arrive $0xFFFF;
	s2 =	simm.s32 @!p0 $0x1C01  }
0x4a: {  	[timem:s3], [sflag:s2] =	dma.local @!p0 [hbm:s0], s1  }
0x4b: {  	s0 =	simm.s32 @!p0 $0x1  }
0x4c: {  	_ =	swait.ge @!p0 [sflag:s0], s1  }
0x4d: {  	s1 =	ssub.s32 @!p0 $0x0, s1;
	[sflag:s0] =	ssyncset.done @!p0 $0x0  }
0x4e: {  	[sflag:s0] =	ssyncadd.s32 @!p0 s1  }
0x4f: {  	[bflag:$0x3] =	sbarrier.arrive $0xFFFF  }
0x50: {  	_ =	shalt  }

</sc_bundles>
